<compile_context>
chip_gen: v7x
topology: tpu7x:2x2x1
jax: 0.10.2.dev20260603
libtpu: 0.0.44.dev20260713+nightly
codegen_flags: <defaults>
</compile_context>

<pallas_src>
import functools

import jax
import jax.numpy as jnp
from jax import lax
from jax.experimental import pallas as pl
from jax.experimental.pallas import tpu as pltpu
from jax.experimental.pallas import tpu_sc as plsc


_SC_CORES = 2
_SC_SUBCORES = 16
_LANES = 16
_ROWS_PER_STEP = 4
_RING = 4

_BLK_L = 512


def _tc_add_kernel(x_ref, emb_ref, out_ref):
    out_ref[...] = x_ref[...] + emb_ref[...][None, :, :]


def _tc_add(x, emb):
    b, l_len, d = x.shape
    blk_l = _BLK_L
    while l_len % blk_l:
        blk_l //= 2
    grid = (l_len // blk_l,)
    return pl.pallas_call(
        _tc_add_kernel,
        grid=grid,
        in_specs=[
            pl.BlockSpec((b, blk_l, d), lambda l: (0, l, 0)),
            pl.BlockSpec((blk_l, d), lambda l: (l, 0)),
        ],
        out_specs=pl.BlockSpec((b, blk_l, d), lambda l: (0, l, 0)),
        out_shape=jax.ShapeDtypeStruct((b, l_len, d), x.dtype),
    )(x, emb)


def _sc_add(x, emb):
    b, seq_len, d = x.shape
    nw = _SC_CORES * _SC_SUBCORES
    rows_w = seq_len // nw
    r = _ROWS_PER_STEP
    steps = rows_w // r
    vecs = d // _LANES
    mesh = plsc.VectorSubcoreMesh(core_axis_name="c", subcore_axis_name="s")

    @functools.partial(
        pl.kernel,
        out_type=jax.ShapeDtypeStruct((b, seq_len, d), jnp.float32),
        mesh=mesh,
        scratch_types=[
            pltpu.VMEM((_RING, b, r, d), jnp.float32),
            pltpu.VMEM((_RING, r, d), jnp.float32),
            [pltpu.SemaphoreType.DMA] * _RING,
            [pltpu.SemaphoreType.DMA] * _RING,
        ],
    )
    def k(x_hbm, emb_hbm, out_hbm, xb, eb, sin, sout):
        wid = lax.axis_index("s") * _SC_CORES + lax.axis_index("c")
        base = wid * rows_w

        def fire_in(j, u):
            l0 = base + j * r
            pltpu.async_copy(x_hbm.at[:, pl.ds(l0, r), :], xb.at[u], sin[u])
            pltpu.async_copy(emb_hbm.at[pl.ds(l0, r), :], eb.at[u], sin[u])

        def wait_in(u):
            pltpu.make_async_copy(
                x_hbm.at[:, pl.ds(base, r), :], xb.at[u], sin[u]
            ).wait()
            pltpu.make_async_copy(
                emb_hbm.at[pl.ds(base, r), :], eb.at[u], sin[u]
            ).wait()

        def fire_out(j, u):
            l0 = base + j * r
            pltpu.async_copy(xb.at[u], out_hbm.at[:, pl.ds(l0, r), :], sout[u])

        def wait_out(u):
            pltpu.make_async_copy(
                xb.at[u], out_hbm.at[:, pl.ds(base, r), :], sout[u]
            ).wait()

        def compute(u):
            @plsc.parallel_loop(0, r * vecs, 1, unroll=4)
            def _(j):
                row = j // vecs
                col = (j % vecs) * _LANES
                e = eb[u, row, pl.ds(col, _LANES)]
                for bi in range(b):
                    xb[u, bi, row, pl.ds(col, _LANES)] += e

        fire_in(0, 0)
        fire_in(1, 1)

        def body(ii, carry):
            for u in range(_RING):
                i = ii * _RING + u
                j = i + 2
                uj = (u + 2) % _RING

                @pl.when(j < steps)
                def _():
                    @pl.when(i >= 2)
                    def _():
                        wait_out(uj)

                    fire_in(j, uj)

                wait_in(u)
                compute(u)
                fire_out(i, u)
            return carry

        lax.fori_loop(0, steps // _RING, body, 0)
        for u in range(_RING):
            wait_out(u)

    return k(x, emb)


def kernel(x, emb):
    b, seq_len, d = x.shape
    max_len = emb.shape[0]
    if seq_len > max_len:
        x = x[:, :max_len, :]
        seq_len = max_len
    nw = _SC_CORES * _SC_SUBCORES
    rows_unit = nw * _ROWS_PER_STEP * _RING
    sc_ok = (
        x.dtype == jnp.float32
        and emb.dtype == jnp.float32
        and d % _LANES == 0
        and seq_len % rows_unit == 0
        and _RING * (b + 1) * _ROWS_PER_STEP * d * 4 < 500_000
    )
    if sc_ok:
        return _sc_add(x, emb)
    return _tc_add(x, emb)

# --- scband reference (transcript-rebuilt; emitter-appended) ---
"""Pipeline reference for scband-learned-positional-encoding-76364518523329 (READ-ONLY COPY).

The authoritative reference and input builder live on the scoring server;
editing this copy changes nothing except your own understanding.
"""

import jax, jax.numpy as jnp
import numpy as np

D_MODEL = 1024
MAX_LEN = 8192

def setup_inputs(seed: int = 0) -> dict:
    key = jax.random.key(seed)
    k1, k2 = jax.random.split(key)
    x = jax.random.normal(k1, (4, 4096, D_MODEL), dtype=jnp.float32)
    emb = jax.random.normal(k2, (MAX_LEN, D_MODEL), dtype=jnp.float32) * 0.02
    return {"x": x, "emb": emb}

def reference(x, emb):
    # x: [B, L, D]; emb: [max_len, D]
    seq_len = x.shape[1]
    max_len = emb.shape[0]
    if seq_len > max_len:
        x = x[:, :max_len, :]
        seq_len = max_len
    positions = jnp.arange(seq_len)
    pos_emb = jnp.take(emb, positions, axis=0)  # [L, D] embedding gather
    out = x + pos_emb[None, :, :]
    # dropout is identity in eval mode (deterministic reference)
    return out

if __name__ == "__main__":
    import jax
    _d = setup_inputs()
    print(jax.jit(kernel)(*tuple(_d.values())))

</pallas_src>

<mosaic_0001>
#map = affine_map<(d0, d1) -> (0, 0, 0)>
#map1 = affine_map<(d0, d1) -> (0, 0)>
module attributes {stable_mosaic.version = 14 : i64} {
  func.func @k(%arg0: i32, %arg1: i32, %arg2: memref<4x4096x1024xf32, #tpu.memory_space<hbm>>, %arg3: memref<8192x1024xf32, #tpu.memory_space<hbm>>, %arg4: memref<4x4096x1024xf32, #tpu.memory_space<hbm>>, %arg5: memref<4x4x4x1024xf32, #tpu.memory_space<vmem>>, %arg6: memref<4x4x1024xf32, #tpu.memory_space<vmem>>, %arg7: memref<!tpu.dma_semaphore, #tpu.memory_space<semaphore_mem>>, %arg8: memref<!tpu.dma_semaphore, #tpu.memory_space<semaphore_mem>>, %arg9: memref<!tpu.dma_semaphore, #tpu.memory_space<semaphore_mem>>, %arg10: memref<!tpu.dma_semaphore, #tpu.memory_space<semaphore_mem>>, %arg11: memref<!tpu.dma_semaphore, #tpu.memory_space<semaphore_mem>>, %arg12: memref<!tpu.dma_semaphore, #tpu.memory_space<semaphore_mem>>, %arg13: memref<!tpu.dma_semaphore, #tpu.memory_space<semaphore_mem>>, %arg14: memref<!tpu.dma_semaphore, #tpu.memory_space<semaphore_mem>>) attributes {dimension_semantics = [#tpu.dimension_semantics<core_parallel>, #tpu.dimension_semantics<subcore_parallel>], iteration_bounds = array<i64: 2, 16>, scalar_prefetch = 0 : i64, scratch_operands = 10 : i64, tpu.core_type = #tpu.core_type<sc_vector_subcore>, window_params = [{transform_indices = #map}, {transform_indices = #map1}, {transform_indices = #map}]} {
    %mul3A = arith.constant 2 : i32
    %mul3A_0 = arith.muli %arg1, %mul3A : i32
    %add3A = arith.addi %mul3A_0, %arg0 : i32
    %mul3A_1 = arith.constant 128 : i32
    %mul3A_2 = arith.muli %add3A, %mul3A_1 : i32
    %add3A_3 = arith.constant 0 : i32
    %add3A_4 = arith.addi %mul3A_2, %add3A_3 : i32
    %dma_start3A = arith.constant 0 : i32
    %dma_start3A_5 = arith.constant 0 : i32
    %dma_start3A_6 = arith.constant 0 : i32
    %dma_start3A_7 = arith.constant 0 : i32
    %dma_start3A_8 = tpu.memref_slice %arg5[%dma_start3A, %dma_start3A_5, %dma_start3A_6, %dma_start3A_7] : memref<4x4x4x1024xf32, #tpu.memory_space<vmem>> -> memref<1x4x4x1024xf32, #tpu.memory_space<vmem>>
    %dma_start3A_9 = tpu.memref_squeeze %dma_start3A_8 : memref<1x4x4x1024xf32, #tpu.memory_space<vmem>> -> memref<4x4x1024xf32, #tpu.memory_space<vmem>>
    %dma_start3A_10 = arith.constant 0 : i32
    %dma_start3A_11 = arith.constant 0 : i32
    %dma_start3A_12 = tpu.memref_slice %arg2[%dma_start3A_10, %add3A_4, %dma_start3A_11] : memref<4x4096x1024xf32, #tpu.memory_space<hbm>> -> memref<4x4x1024xf32, #tpu.memory_space<hbm>>
    %dma_start3A_13 = arith.constant 0 : i32
    %dma_start3A_14 = arith.constant 0 : i32
    %dma_start3A_15 = arith.constant 0 : i32
    %dma_start3A_16 = tpu.memref_slice %arg5[%dma_start3A, %dma_start3A_13, %dma_start3A_14, %dma_start3A_15] : memref<4x4x4x1024xf32, #tpu.memory_space<vmem>> -> memref<1x4x4x1024xf32, #tpu.memory_space<vmem>>
    %dma_start3A_17 = tpu.memref_squeeze %dma_start3A_16 : memref<1x4x4x1024xf32, #tpu.memory_space<vmem>> -> memref<4x4x1024xf32, #tpu.memory_space<vmem>>
    %dma_start3A_18 = arith.constant 0 : i32
    %dma_start3A_19 = arith.constant 0 : i32
    %dma_start3A_20 = tpu.memref_slice %arg2[%dma_start3A_18, %add3A_4, %dma_start3A_19] : memref<4x4096x1024xf32, #tpu.memory_space<hbm>> -> memref<4x4x1024xf32, #tpu.memory_space<hbm>>
    tpu.enqueue_dma source(%dma_start3A_20 : memref<4x4x1024xf32, #tpu.memory_space<hbm>>) target(%dma_start3A_17 : memref<4x4x1024xf32, #tpu.memory_space<vmem>>) target_semaphore(%arg7 : memref<!tpu.dma_semaphore, #tpu.memory_space<semaphore_mem>>)
    %dma_start3A_21 = arith.constant 0 : i32
    %dma_start3A_22 = arith.constant 0 : i32
    %dma_start3A_23 = arith.constant 0 : i32
    %dma_start3A_24 = tpu.memref_slice %arg6[%dma_start3A_21, %dma_start3A_22, %dma_start3A_23] : memref<4x4x1024xf32, #tpu.memory_space<vmem>> -> memref<1x4x1024xf32, #tpu.memory_space<vmem>>
    %dma_start3A_25 = tpu.memref_squeeze %dma_start3A_24 : memref<1x4x1024xf32, #tpu.memory_space<vmem>> -> memref<4x1024xf32, #tpu.memory_space<vmem>>
    %dma_start3A_26 = arith.constant 0 : i32
    %dma_start3A_27 = tpu.memref_slice %arg3[%add3A_4, %dma_start3A_26] : memref<8192x1024xf32, #tpu.memory_space<hbm>> -> memref<4x1024xf32, #tpu.memory_space<hbm>>
    %dma_start3A_28 = arith.constant 0 : i32
    %dma_start3A_29 = arith.constant 0 : i32
    %dma_start3A_30 = tpu.memref_slice %arg6[%dma_start3A_21, %dma_start3A_28, %dma_start3A_29] : memref<4x4x1024xf32, #tpu.memory_space<vmem>> -> memref<1x4x1024xf32, #tpu.memory_space<vmem>>
    %dma_start3A_31 = tpu.memref_squeeze %dma_start3A_30 : memref<1x4x1024xf32, #tpu.memory_space<vmem>> -> memref<4x1024xf32, #tpu.memory_space<vmem>>
    %dma_start3A_32 = arith.constant 0 : i32
    %dma_start3A_33 = tpu.memref_slice %arg3[%add3A_4, %dma_start3A_32] : memref<8192x1024xf32, #tpu.memory_space<hbm>> -> memref<4x1024xf32, #tpu.memory_space<hbm>>
    tpu.enqueue_dma source(%dma_start3A_33 : memref<4x1024xf32, #tpu.memory_space<hbm>>) target(%dma_start3A_31 : memref<4x1024xf32, #tpu.memory_space<vmem>>) target_semaphore(%arg7 : memref<!tpu.dma_semaphore, #tpu.memory_space<semaphore_mem>>)
    %add3A_34 = arith.constant 4 : i32
    %add3A_35 = arith.addi %mul3A_2, %add3A_34 : i32
    %dma_start3A_36 = arith.constant 1 : i32
    %dma_start3A_37 = arith.constant 0 : i32
    %dma_start3A_38 = arith.constant 0 : i32
    %dma_start3A_39 = arith.constant 0 : i32
    %dma_start3A_40 = tpu.memref_slice %arg5[%dma_start3A_36, %dma_start3A_37, %dma_start3A_38, %dma_start3A_39] : memref<4x4x4x1024xf32, #tpu.memory_space<vmem>> -> memref<1x4x4x1024xf32, #tpu.memory_space<vmem>>
    %dma_start3A_41 = tpu.memref_squeeze %dma_start3A_40 : memref<1x4x4x1024xf32, #tpu.memory_space<vmem>> -> memref<4x4x1024xf32, #tpu.memory_space<vmem>>
    %dma_start3A_42 = arith.constant 0 : i32
    %dma_start3A_43 = arith.constant 0 : i32
    %dma_start3A_44 = tpu.memref_slice %arg2[%dma_start3A_42, %add3A_35, %dma_start3A_43] : memref<4x4096x1024xf32, #tpu.memory_space<hbm>> -> memref<4x4x1024xf32, #tpu.memory_space<hbm>>
    %dma_start3A_45 = arith.constant 0 : i32
    %dma_start3A_46 = arith.constant 0 : i32
    %dma_start3A_47 = arith.constant 0 : i32
    %dma_start3A_48 = tpu.memref_slice %arg5[%dma_start3A_36, %dma_start3A_45, %dma_start3A_46, %dma_start3A_47] : memref<4x4x4x1024xf32, #tpu.memory_space<vmem>> -> memref<1x4x4x1024xf32, #tpu.memory_space<vmem>>
    %dma_start3A_49 = tpu.memref_squeeze %dma_start3A_48 : memref<1x4x4x1024xf32, #tpu.memory_space<vmem>> -> memref<4x4x1024xf32, #tpu.memory_space<vmem>>
    %dma_start3A_50 = arith.constant 0 : i32
    %dma_start3A_51 = arith.constant 0 : i32
    %dma_start3A_52 = tpu.memref_slice %arg2[%dma_start3A_50, %add3A_35, %dma_start3A_51] : memref<4x4096x1024xf32, #tpu.memory_space<hbm>> -> memref<4x4x1024xf32, #tpu.memory_space<hbm>>
    tpu.enqueue_dma source(%dma_start3A_52 : memref<4x4x1024xf32, #tpu.memory_space<hbm>>) target(%dma_start3A_49 : memref<4x4x1024xf32, #tpu.memory_space<vmem>>) target_semaphore(%arg8 : memref<!tpu.dma_semaphore, #tpu.memory_space<semaphore_mem>>)
    %dma_start3A_53 = arith.constant 1 : i32
    %dma_start3A_54 = arith.constant 0 : i32
    %dma_start3A_55 = arith.constant 0 : i32
    %dma_start3A_56 = tpu.memref_slice %arg6[%dma_start3A_53, %dma_start3A_54, %dma_start3A_55] : memref<4x4x1024xf32, #tpu.memory_space<vmem>> -> memref<1x4x1024xf32, #tpu.memory_space<vmem>>
    %dma_start3A_57 = tpu.memref_squeeze %dma_start3A_56 : memref<1x4x1024xf32, #tpu.memory_space<vmem>> -> memref<4x1024xf32, #tpu.memory_space<vmem>>
    %dma_start3A_58 = arith.constant 0 : i32
    %dma_start3A_59 = tpu.memref_slice %arg3[%add3A_35, %dma_start3A_58] : memref<8192x1024xf32, #tpu.memory_space<hbm>> -> memref<4x1024xf32, #tpu.memory_space<hbm>>
    %dma_start3A_60 = arith.constant 0 : i32
    %dma_start3A_61 = arith.constant 0 : i32
    %dma_start3A_62 = tpu.memref_slice %arg6[%dma_start3A_53, %dma_start3A_60, %dma_start3A_61] : memref<4x4x1024xf32, #tpu.memory_space<vmem>> -> memref<1x4x1024xf32, #tpu.memory_space<vmem>>
    %dma_start3A_63 = tpu.memref_squeeze %dma_start3A_62 : memref<1x4x1024xf32, #tpu.memory_space<vmem>> -> memref<4x1024xf32, #tpu.memory_space<vmem>>
    %dma_start3A_64 = arith.constant 0 : i32
    %dma_start3A_65 = tpu.memref_slice %arg3[%add3A_35, %dma_start3A_64] : memref<8192x1024xf32, #tpu.memory_space<hbm>> -> memref<4x1024xf32, #tpu.memory_space<hbm>>
    tpu.enqueue_dma source(%dma_start3A_65 : memref<4x1024xf32, #tpu.memory_space<hbm>>) target(%dma_start3A_63 : memref<4x1024xf32, #tpu.memory_space<vmem>>) target_semaphore(%arg8 : memref<!tpu.dma_semaphore, #tpu.memory_space<semaphore_mem>>)
    %scan3A = arith.constant 0 : i32
    %scan3A_66 = arith.constant 0 : i32
    %scan3A_67 = arith.constant 8 : i32
    %scan3A_68 = arith.addi %scan3A_66, %scan3A_67 : i32
    %scan3A_69 = arith.constant 1 : i32
    scf.for %scan3A_138 = %scan3A_66 to %scan3A_68 step %scan3A_69  : i32 {
      %mul3A_139 = arith.constant 4 : i32
      %mul3A_140 = arith.muli %scan3A_138, %mul3A_139 : i32
      %add3A_141 = arith.constant 0 : i32
      %add3A_142 = arith.addi %mul3A_140, %add3A_141 : i32
      %add3A_143 = arith.constant 2 : i32
      %add3A_144 = arith.addi %add3A_142, %add3A_143 : i32
      %lt3A = arith.constant 32 : i32
      %lt3A_145 = arith.cmpi slt, %add3A_144, %lt3A : i32
      %convert_element_type3A = arith.extui %lt3A_145 : i1 to i32
      %cond3A = arith.constant 0 : i32
      %cond3A_146 = arith.cmpi ne, %convert_element_type3A, %cond3A : i32
      scf.if %cond3A_146 {
        %ge3A = arith.constant 2 : i32
        %ge3A_391 = arith.cmpi sge, %add3A_142, %ge3A : i32
        %convert_element_type3A_392 = arith.extui %ge3A_391 : i1 to i32
        %cond3A_393 = arith.constant 0 : i32
        %cond3A_394 = arith.cmpi ne, %convert_element_type3A_392, %cond3A_393 : i32
        scf.if %cond3A_394 {
          %dma_wait3A_428 = arith.constant 2 : i32
          %dma_wait3A_429 = arith.constant 0 : i32
          %dma_wait3A_430 = arith.constant 0 : i32
          %dma_wait3A_431 = arith.constant 0 : i32
          %dma_wait3A_432 = tpu.memref_slice %arg5[%dma_wait3A_428, %dma_wait3A_429, %dma_wait3A_430, %dma_wait3A_431] : memref<4x4x4x1024xf32, #tpu.memory_space<vmem>> -> memref<1x4x4x1024xf32, #tpu.memory_space<vmem>>
          %dma_wait3A_433 = tpu.memref_squeeze %dma_wait3A_432 : memref<1x4x4x1024xf32, #tpu.memory_space<vmem>> -> memref<4x4x1024xf32, #tpu.memory_space<vmem>>
          %dma_wait3A_434 = arith.constant 0 : i32
          %dma_wait3A_435 = arith.constant 0 : i32
          %dma_wait3A_436 = tpu.memref_slice %arg4[%dma_wait3A_434, %mul3A_2, %dma_wait3A_435] : memref<4x4096x1024xf32, #tpu.memory_space<hbm>> -> memref<4x4x1024xf32, #tpu.memory_space<hbm>>
          %dma_wait3A_437 = arith.constant 0 : i32
          %dma_wait3A_438 = arith.constant 0 : i32
          %dma_wait3A_439 = tpu.memref_slice %arg4[%dma_wait3A_437, %mul3A_2, %dma_wait3A_438] : memref<4x4096x1024xf32, #tpu.memory_space<hbm>> -> memref<4x4x1024xf32, #tpu.memory_space<hbm>>
          %dma_wait3A_440 = arith.constant 0 : i32
          %dma_wait3A_441 = arith.constant 0 : i32
          %dma_wait3A_442 = arith.constant 0 : i32
          %dma_wait3A_443 = tpu.memref_slice %arg5[%dma_wait3A_428, %dma_wait3A_440, %dma_wait3A_441, %dma_wait3A_442] : memref<4x4x4x1024xf32, #tpu.memory_space<vmem>> -> memref<1x4x4x1024xf32, #tpu.memory_space<vmem>>
          %dma_wait3A_444 = tpu.memref_squeeze %dma_wait3A_443 : memref<1x4x4x1024xf32, #tpu.memory_space<vmem>> -> memref<4x4x1024xf32, #tpu.memory_space<vmem>>
          tpu.wait_dma2 semaphore(%arg13 : memref<!tpu.dma_semaphore, #tpu.memory_space<semaphore_mem>>) src(%dma_wait3A_444 : memref<4x4x1024xf32, #tpu.memory_space<vmem>>) dst(%dma_wait3A_439 : memref<4x4x1024xf32, #tpu.memory_space<hbm>>)
        } else {
        }
        %mul3A_395 = arith.constant 4 : i32
        %mul3A_396 = arith.muli %add3A_144, %mul3A_395 : i32
        %add3A_397 = arith.addi %mul3A_2, %mul3A_396 : i32
        %dma_start3A_398 = arith.constant 2 : i32
        %dma_start3A_399 = arith.constant 0 : i32
        %dma_start3A_400 = arith.constant 0 : i32
        %dma_start3A_401 = arith.constant 0 : i32
        %dma_start3A_402 = tpu.memref_slice %arg5[%dma_start3A_398, %dma_start3A_399, %dma_start3A_400, %dma_start3A_401] : memref<4x4x4x1024xf32, #tpu.memory_space<vmem>> -> memref<1x4x4x1024xf32, #tpu.memory_space<vmem>>
        %dma_start3A_403 = tpu.memref_squeeze %dma_start3A_402 : memref<1x4x4x1024xf32, #tpu.memory_space<vmem>> -> memref<4x4x1024xf32, #tpu.memory_space<vmem>>
        %dma_start3A_404 = arith.constant 0 : i32
        %dma_start3A_405 = arith.constant 0 : i32
        %dma_start3A_406 = tpu.memref_slice %arg2[%dma_start3A_404, %add3A_397, %dma_start3A_405] : memref<4x4096x1024xf32, #tpu.memory_space<hbm>> -> memref<4x4x1024xf32, #tpu.memory_space<hbm>>
        %dma_start3A_407 = arith.constant 0 : i32
        %dma_start3A_408 = arith.constant 0 : i32
        %dma_start3A_409 = arith.constant 0 : i32
        %dma_start3A_410 = tpu.memref_slice %arg5[%dma_start3A_398, %dma_start3A_407, %dma_start3A_408, %dma_start3A_409] : memref<4x4x4x1024xf32, #tpu.memory_space<vmem>> -> memref<1x4x4x1024xf32, #tpu.memory_space<vmem>>
        %dma_start3A_411 = tpu.memref_squeeze %dma_start3A_410 : memref<1x4x4x1024xf32, #tpu.memory_space<vmem>> -> memref<4x4x1024xf32, #tpu.memory_space<vmem>>
        %dma_start3A_412 = arith.constant 0 : i32
        %dma_start3A_413 = arith.constant 0 : i32
        %dma_start3A_414 = tpu.memref_slice %arg2[%dma_start3A_412, %add3A_397, %dma_start3A_413] : memref<4x4096x1024xf32, #tpu.memory_space<hbm>> -> memref<4x4x1024xf32, #tpu.memory_space<hbm>>
        tpu.enqueue_dma source(%dma_start3A_414 : memref<4x4x1024xf32, #tpu.memory_space<hbm>>) target(%dma_start3A_411 : memref<4x4x1024xf32, #tpu.memory_space<vmem>>) target_semaphore(%arg9 : memref<!tpu.dma_semaphore, #tpu.memory_space<semaphore_mem>>)
        %dma_start3A_415 = arith.constant 2 : i32
        %dma_start3A_416 = arith.constant 0 : i32
        %dma_start3A_417 = arith.constant 0 : i32
        %dma_start3A_418 = tpu.memref_slice %arg6[%dma_start3A_415, %dma_start3A_416, %dma_start3A_417] : memref<4x4x1024xf32, #tpu.memory_space<vmem>> -> memref<1x4x1024xf32, #tpu.memory_space<vmem>>
        %dma_start3A_419 = tpu.memref_squeeze %dma_start3A_418 : memref<1x4x1024xf32, #tpu.memory_space<vmem>> -> memref<4x1024xf32, #tpu.memory_space<vmem>>
        %dma_start3A_420 = arith.constant 0 : i32
        %dma_start3A_421 = tpu.memref_slice %arg3[%add3A_397, %dma_start3A_420] : memref<8192x1024xf32, #tpu.memory_space<hbm>> -> memref<4x1024xf32, #tpu.memory_space<hbm>>
        %dma_start3A_422 = arith.constant 0 : i32
        %dma_start3A_423 = arith.constant 0 : i32
        %dma_start3A_424 = tpu.memref_slice %arg6[%dma_start3A_415, %dma_start3A_422, %dma_start3A_423] : memref<4x4x1024xf32, #tpu.memory_space<vmem>> -> memref<1x4x1024xf32, #tpu.memory_space<vmem>>
        %dma_start3A_425 = tpu.memref_squeeze %dma_start3A_424 : memref<1x4x1024xf32, #tpu.memory_space<vmem>> -> memref<4x1024xf32, #tpu.memory_space<vmem>>
        %dma_start3A_426 = arith.constant 0 : i32
        %dma_start3A_427 = tpu.memref_slice %arg3[%add3A_397, %dma_start3A_426] : memref<8192x1024xf32, #tpu.memory_space<hbm>> -> memref<4x1024xf32, #tpu.memory_space<hbm>>
        tpu.enqueue_dma source(%dma_start3A_427 : memref<4x1024xf32, #tpu.memory_space<hbm>>) target(%dma_start3A_425 : memref<4x1024xf32, #tpu.memory_space<vmem>>) target_semaphore(%arg9 : memref<!tpu.dma_semaphore, #tpu.memory_space<semaphore_mem>>)
      } else {
      }
      %dma_wait3A_147 = arith.constant 0 : i32
      %dma_wait3A_148 = arith.constant 0 : i32
      %dma_wait3A_149 = arith.constant 0 : i32
      %dma_wait3A_150 = arith.constant 0 : i32
      %dma_wait3A_151 = tpu.memref_slice %arg5[%dma_wait3A_147, %dma_wait3A_148, %dma_wait3A_149, %dma_wait3A_150] : memref<4x4x4x1024xf32, #tpu.memory_space<vmem>> -> memref<1x4x4x1024xf32, #tpu.memory_space<vmem>>
      %dma_wait3A_152 = tpu.memref_squeeze %dma_wait3A_151 : memref<1x4x4x1024xf32, #tpu.memory_space<vmem>> -> memref<4x4x1024xf32, #tpu.memory_space<vmem>>
      %dma_wait3A_153 = arith.constant 0 : i32
      %dma_wait3A_154 = arith.constant 0 : i32
      %dma_wait3A_155 = tpu.memref_slice %arg2[%dma_wait3A_153, %mul3A_2, %dma_wait3A_154] : memref<4x4096x1024xf32, #tpu.memory_space<hbm>> -> memref<4x4x1024xf32, #tpu.memory_space<hbm>>
      %dma_wait3A_156 = arith.constant 0 : i32
      %dma_wait3A_157 = arith.constant 0 : i32
      %dma_wait3A_158 = arith.constant 0 : i32
      %dma_wait3A_159 = tpu.memref_slice %arg5[%dma_wait3A_147, %dma_wait3A_156, %dma_wait3A_157, %dma_wait3A_158] : memref<4x4x4x1024xf32, #tpu.memory_space<vmem>> -> memref<1x4x4x1024xf32, #tpu.memory_space<vmem>>
      %dma_wait3A_160 = tpu.memref_squeeze %dma_wait3A_159 : memref<1x4x4x1024xf32, #tpu.memory_space<vmem>> -> memref<4x4x1024xf32, #tpu.memory_space<vmem>>
      %dma_wait3A_161 = arith.constant 0 : i32
      %dma_wait3A_162 = arith.constant 0 : i32
      %dma_wait3A_163 = tpu.memref_slice %arg2[%dma_wait3A_161, %mul3A_2, %dma_wait3A_162] : memref<4x4096x1024xf32, #tpu.memory_space<hbm>> -> memref<4x4x1024xf32, #tpu.memory_space<hbm>>
      tpu.wait_dma2 semaphore(%arg7 : memref<!tpu.dma_semaphore, #tpu.memory_space<semaphore_mem>>) src(%dma_wait3A_163 : memref<4x4x1024xf32, #tpu.memory_space<hbm>>) dst(%dma_wait3A_160 : memref<4x4x1024xf32, #tpu.memory_space<vmem>>)
      %dma_wait3A_164 = arith.constant 0 : i32
      %dma_wait3A_165 = arith.constant 0 : i32
      %dma_wait3A_166 = arith.constant 0 : i32
      %dma_wait3A_167 = tpu.memref_slice %arg6[%dma_wait3A_164, %dma_wait3A_165, %dma_wait3A_166] : memref<4x4x1024xf32, #tpu.memory_space<vmem>> -> memref<1x4x1024xf32, #tpu.memory_space<vmem>>
      %dma_wait3A_168 = tpu.memref_squeeze %dma_wait3A_167 : memref<1x4x1024xf32, #tpu.memory_space<vmem>> -> memref<4x1024xf32, #tpu.memory_space<vmem>>
      %dma_wait3A_169 = arith.constant 0 : i32
      %dma_wait3A_170 = tpu.memref_slice %arg3[%mul3A_2, %dma_wait3A_169] : memref<8192x1024xf32, #tpu.memory_space<hbm>> -> memref<4x1024xf32, #tpu.memory_space<hbm>>
      %dma_wait3A_171 = arith.constant 0 : i32
      %dma_wait3A_172 = arith.constant 0 : i32
      %dma_wait3A_173 = tpu.memref_slice %arg6[%dma_wait3A_164, %dma_wait3A_171, %dma_wait3A_172] : memref<4x4x1024xf32, #tpu.memory_space<vmem>> -> memref<1x4x1024xf32, #tpu.memory_space<vmem>>
      %dma_wait3A_174 = tpu.memref_squeeze %dma_wait3A_173 : memref<1x4x1024xf32, #tpu.memory_space<vmem>> -> memref<4x1024xf32, #tpu.memory_space<vmem>>
      %dma_wait3A_175 = arith.constant 0 : i32
      %dma_wait3A_176 = tpu.memref_slice %arg3[%mul3A_2, %dma_wait3A_175] : memref<8192x1024xf32, #tpu.memory_space<hbm>> -> memref<4x1024xf32, #tpu.memory_space<hbm>>
      tpu.wait_dma2 semaphore(%arg7 : memref<!tpu.dma_semaphore, #tpu.memory_space<semaphore_mem>>) src(%dma_wait3A_176 : memref<4x1024xf32, #tpu.memory_space<hbm>>) dst(%dma_wait3A_174 : memref<4x1024xf32, #tpu.memory_space<vmem>>)
      %parallel_loop3A = arith.constant 0 : i32
      %parallel_loop3A_177 = arith.constant 256 : i32
      %parallel_loop3A_178 = arith.constant 1 : i32
      scf.for %parallel_loop3A_391 = %parallel_loop3A to %parallel_loop3A_177 step %parallel_loop3A_178  : i32 {
        %parallel_loop3A_392 = arith.constant 64 : i32
        %parallel_loop3A_393 = arith.divsi %parallel_loop3A_391, %parallel_loop3A_392 : i32
        %parallel_loop3A_394 = arith.constant 0 : i32
        %parallel_loop3A_395 = arith.cmpi sgt, %parallel_loop3A_391, %parallel_loop3A_394 : i32
        %parallel_loop3A_396 = arith.extui %parallel_loop3A_395 : i1 to i32
        %parallel_loop3A_397 = arith.constant 0 : i32
        %parallel_loop3A_398 = arith.cmpi slt, %parallel_loop3A_391, %parallel_loop3A_397 : i32
        %parallel_loop3A_399 = arith.extui %parallel_loop3A_398 : i1 to i32
        %parallel_loop3A_400 = arith.subi %parallel_loop3A_396, %parallel_loop3A_399 : i32
        %parallel_loop3A_401 = arith.constant 0 : i32
        %parallel_loop3A_402 = arith.cmpi sgt, %parallel_loop3A_392, %parallel_loop3A_401 : i32
        %parallel_loop3A_403 = arith.extui %parallel_loop3A_402 : i1 to i32
        %parallel_loop3A_404 = arith.constant 0 : i32
        %parallel_loop3A_405 = arith.cmpi slt, %parallel_loop3A_392, %parallel_loop3A_404 : i32
        %parallel_loop3A_406 = arith.extui %parallel_loop3A_405 : i1 to i32
        %parallel_loop3A_407 = arith.subi %parallel_loop3A_403, %parallel_loop3A_406 : i32
        %parallel_loop3A_408 = arith.cmpi ne, %parallel_loop3A_400, %parallel_loop3A_407 : i32
        %parallel_loop3A_409 = arith.remsi %parallel_loop3A_391, %parallel_loop3A_392 : i32
        %parallel_loop3A_410 = arith.constant 0 : i32
        %parallel_loop3A_411 = arith.cmpi ne, %parallel_loop3A_409, %parallel_loop3A_410 : i32
        %parallel_loop3A_412 = arith.andi %parallel_loop3A_408, %parallel_loop3A_411 : i1
        %parallel_loop3A_413 = arith.constant 1 : i32
        %parallel_loop3A_414 = arith.subi %parallel_loop3A_393, %parallel_loop3A_413 : i32
        %parallel_loop3A_415 = arith.select %parallel_loop3A_412, %parallel_loop3A_414, %parallel_loop3A_393 : i32
        %parallel_loop3A_416 = arith.constant 64 : i32
        %parallel_loop3A_417 = arith.constant 0 : i32
        %parallel_loop3A_418 = arith.cmpi eq, %parallel_loop3A_416, %parallel_loop3A_417 : i32
        %parallel_loop3A_419 = arith.constant 1 : i32
        %parallel_loop3A_420 = arith.select %parallel_loop3A_418, %parallel_loop3A_419, %parallel_loop3A_416 : i32
        %parallel_loop3A_421 = arith.remsi %parallel_loop3A_391, %parallel_loop3A_420 : i32
        %parallel_loop3A_422 = arith.constant 0 : i32
        %parallel_loop3A_423 = arith.cmpi ne, %parallel_loop3A_421, %parallel_loop3A_422 : i32
        %parallel_loop3A_424 = arith.constant 0 : i32
        %parallel_loop3A_425 = arith.cmpi slt, %parallel_loop3A_421, %parallel_loop3A_424 : i32
        %parallel_loop3A_426 = arith.constant 0 : i32
        %parallel_loop3A_427 = arith.cmpi slt, %parallel_loop3A_420, %parallel_loop3A_426 : i32
        %parallel_loop3A_428 = arith.xori %parallel_loop3A_425, %parallel_loop3A_427 : i1
        %parallel_loop3A_429 = arith.andi %parallel_loop3A_428, %parallel_loop3A_423 : i1
        %parallel_loop3A_430 = arith.addi %parallel_loop3A_421, %parallel_loop3A_420 : i32
        %parallel_loop3A_431 = arith.select %parallel_loop3A_429, %parallel_loop3A_430, %parallel_loop3A_421 : i32
        %parallel_loop3A_432 = arith.constant 16 : i32
        %parallel_loop3A_433 = arith.muli %parallel_loop3A_431, %parallel_loop3A_432 : i32
        %parallel_loop3A_434 = arith.constant 0 : i32
        %parallel_loop3A_435 = arith.index_cast %parallel_loop3A_434 : i32 to index
        %parallel_loop3A_436 = arith.index_cast %parallel_loop3A_415 : i32 to index
        %parallel_loop3A_437 = arith.index_cast %parallel_loop3A_433 : i32 to index
        %parallel_loop3A_438 = tpu.vector_load %arg6[%parallel_loop3A_435, %parallel_loop3A_436, %parallel_loop3A_437] {strides = array<i32>} : memref<4x4x1024xf32, #tpu.memory_space<vmem>>, vector<1x1x16xf32>,
        %parallel_loop3A_439 = vector.shape_cast %parallel_loop3A_438 : vector<1x1x16xf32> to vector<16xf32>
        %parallel_loop3A_440 = arith.constant 0 : i32
        %parallel_loop3A_441 = arith.constant 0 : i32
        %parallel_loop3A_442 = arith.index_cast %parallel_loop3A_440 : i32 to index
        %parallel_loop3A_443 = arith.index_cast %parallel_loop3A_441 : i32 to index
        %parallel_loop3A_444 = arith.index_cast %parallel_loop3A_415 : i32 to index
        %parallel_loop3A_445 = arith.index_cast %parallel_loop3A_433 : i32 to index
        %parallel_loop3A_446 = tpu.vector_load %arg5[%parallel_loop3A_442, %parallel_loop3A_443, %parallel_loop3A_444, %parallel_loop3A_445] {strides = array<i32>} : memref<4x4x4x1024xf32, #tpu.memory_space<vmem>>, vector<1x1x1x16xf32>,
        %parallel_loop3A_447 = vector.shape_cast %parallel_loop3A_446 : vector<1x1x1x16xf32> to vector<16xf32>
        %parallel_loop3A_448 = arith.addf %parallel_loop3A_447, %parallel_loop3A_439 : vector<16xf32>
        %parallel_loop3A_449 = arith.constant 0 : i32
        %parallel_loop3A_450 = arith.constant 0 : i32
        %parallel_loop3A_451 = arith.index_cast %parallel_loop3A_449 : i32 to index
        %parallel_loop3A_452 = arith.index_cast %parallel_loop3A_450 : i32 to index
        %parallel_loop3A_453 = arith.index_cast %parallel_loop3A_415 : i32 to index
        %parallel_loop3A_454 = arith.index_cast %parallel_loop3A_433 : i32 to index
        %parallel_loop3A_455 = tpu.vector_load %arg5[%parallel_loop3A_451, %parallel_loop3A_452, %parallel_loop3A_453, %parallel_loop3A_454] {strides = array<i32>} : memref<4x4x4x1024xf32, #tpu.memory_space<vmem>>, vector<1x1x1x16xf32>,
        %parallel_loop3A_456 = vector.shape_cast %parallel_loop3A_455 : vector<1x1x1x16xf32> to vector<16xf32>
        %parallel_loop3A_457 = vector.shape_cast %parallel_loop3A_448 : vector<16xf32> to vector<1x1x1x16xf32>
        tpu.vector_store %arg5[%parallel_loop3A_451, %parallel_loop3A_452, %parallel_loop3A_453, %parallel_loop3A_454], %parallel_loop3A_457 {strides = array<i32>} : memref<4x4x4x1024xf32, #tpu.memory_space<vmem>>, vector<1x1x1x16xf32>,
        %parallel_loop3A_458 = arith.constant 0 : i32
        %parallel_loop3A_459 = arith.constant 1 : i32
        %parallel_loop3A_460 = arith.index_cast %parallel_loop3A_458 : i32 to index
        %parallel_loop3A_461 = arith.index_cast %parallel_loop3A_459 : i32 to index
        %parallel_loop3A_462 = arith.index_cast %parallel_loop3A_415 : i32 to index
        %parallel_loop3A_463 = arith.index_cast %parallel_loop3A_433 : i32 to index
        %parallel_loop3A_464 = tpu.vector_load %arg5[%parallel_loop3A_460, %parallel_loop3A_461, %parallel_loop3A_462, %parallel_loop3A_463] {strides = array<i32>} : memref<4x4x4x1024xf32, #tpu.memory_space<vmem>>, vector<1x1x1x16xf32>,
        %parallel_loop3A_465 = vector.shape_cast %parallel_loop3A_464 : vector<1x1x1x16xf32> to vector<16xf32>
        %parallel_loop3A_466 = arith.addf %parallel_loop3A_465, %parallel_loop3A_439 : vector<16xf32>
        %parallel_loop3A_467 = arith.constant 0 : i32
        %parallel_loop3A_468 = arith.constant 1 : i32
        %parallel_loop3A_469 = arith.index_cast %parallel_loop3A_467 : i32 to index
        %parallel_loop3A_470 = arith.index_cast %parallel_loop3A_468 : i32 to index
        %parallel_loop3A_471 = arith.index_cast %parallel_loop3A_415 : i32 to index
        %parallel_loop3A_472 = arith.index_cast %parallel_loop3A_433 : i32 to index
        %parallel_loop3A_473 = tpu.vector_load %arg5[%parallel_loop3A_469, %parallel_loop3A_470, %parallel_loop3A_471, %parallel_loop3A_472] {strides = array<i32>} : memref<4x4x4x1024xf32, #tpu.memory_space<vmem>>, vector<1x1x1x16xf32>,
        %parallel_loop3A_474 = vector.shape_cast %parallel_loop3A_473 : vector<1x1x1x16xf32> to vector<16xf32>
        %parallel_loop3A_475 = vector.shape_cast %parallel_loop3A_466 : vector<16xf32> to vector<1x1x1x16xf32>
        tpu.vector_store %arg5[%parallel_loop3A_469, %parallel_loop3A_470, %parallel_loop3A_471, %parallel_loop3A_472], %parallel_loop3A_475 {strides = array<i32>} : memref<4x4x4x1024xf32, #tpu.memory_space<vmem>>, vector<1x1x1x16xf32>,
        %parallel_loop3A_476 = arith.constant 0 : i32
        %parallel_loop3A_477 = arith.constant 2 : i32
        %parallel_loop3A_478 = arith.index_cast %parallel_loop3A_476 : i32 to index
        %parallel_loop3A_479 = arith.index_cast %parallel_loop3A_477 : i32 to index
        %parallel_loop3A_480 = arith.index_cast %parallel_loop3A_415 : i32 to index
        %parallel_loop3A_481 = arith.index_cast %parallel_loop3A_433 : i32 to index
        %parallel_loop3A_482 = tpu.vector_load %arg5[%parallel_loop3A_478, %parallel_loop3A_479, %parallel_loop3A_480, %parallel_loop3A_481] {strides = array<i32>} : memref<4x4x4x1024xf32, #tpu.memory_space<vmem>>, vector<1x1x1x16xf32>,
        %parallel_loop3A_483 = vector.shape_cast %parallel_loop3A_482 : vector<1x1x1x16xf32> to vector<16xf32>
        %parallel_loop3A_484 = arith.addf %parallel_loop3A_483, %parallel_loop3A_439 : vector<16xf32>
        %parallel_loop3A_485 = arith.constant 0 : i32
        %parallel_loop3A_486 = arith.constant 2 : i32
        %parallel_loop3A_487 = arith.index_cast %parallel_loop3A_485 : i32 to index
        %parallel_loop3A_488 = arith.index_cast %parallel_loop3A_486 : i32 to index
        %parallel_loop3A_489 = arith.index_cast %parallel_loop3A_415 : i32 to index
        %parallel_loop3A_490 = arith.index_cast %parallel_loop3A_433 : i32 to index
        %parallel_loop3A_491 = tpu.vector_load %arg5[%parallel_loop3A_487, %parallel_loop3A_488, %parallel_loop3A_489, %parallel_loop3A_490] {strides = array<i32>} : memref<4x4x4x1024xf32, #tpu.memory_space<vmem>>, vector<1x1x1x16xf32>,
        %parallel_loop3A_492 = vector.shape_cast %parallel_loop3A_491 : vector<1x1x1x16xf32> to vector<16xf32>
        %parallel_loop3A_493 = vector.shape_cast %parallel_loop3A_484 : vector<16xf32> to vector<1x1x1x16xf32>
        tpu.vector_store %arg5[%parallel_loop3A_487, %parallel_loop3A_488, %parallel_loop3A_489, %parallel_loop3A_490], %parallel_loop3A_493 {strides = array<i32>} : memref<4x4x4x1024xf32, #tpu.memory_space<vmem>>, vector<1x1x1x16xf32>,
        %parallel_loop3A_494 = arith.constant 0 : i32
        %parallel_loop3A_495 = arith.constant 3 : i32
        %parallel_loop3A_496 = arith.index_cast %parallel_loop3A_494 : i32 to index
        %parallel_loop3A_497 = arith.index_cast %parallel_loop3A_495 : i32 to index
        %parallel_loop3A_498 = arith.index_cast %parallel_loop3A_415 : i32 to index
        %parallel_loop3A_499 = arith.index_cast %parallel_loop3A_433 : i32 to index
        %parallel_loop3A_500 = tpu.vector_load %arg5[%parallel_loop3A_496, %parallel_loop3A_497, %parallel_loop3A_498, %parallel_loop3A_499] {strides = array<i32>} : memref<4x4x4x1024xf32, #tpu.memory_space<vmem>>, vector<1x1x1x16xf32>,
        %parallel_loop3A_501 = vector.shape_cast %parallel_loop3A_500 : vector<1x1x1x16xf32> to vector<16xf32>
        %parallel_loop3A_502 = arith.addf %parallel_loop3A_501, %parallel_loop3A_439 : vector<16xf32>
        %parallel_loop3A_503 = arith.constant 0 : i32
        %parallel_loop3A_504 = arith.constant 3 : i32
        %parallel_loop3A_505 = arith.index_cast %parallel_loop3A_503 : i32 to index
        %parallel_loop3A_506 = arith.index_cast %parallel_loop3A_504 : i32 to index
        %parallel_loop3A_507 = arith.index_cast %parallel_loop3A_415 : i32 to index
        %parallel_loop3A_508 = arith.index_cast %parallel_loop3A_433 : i32 to index
        %parallel_loop3A_509 = tpu.vector_load %arg5[%parallel_loop3A_505, %parallel_loop3A_506, %parallel_loop3A_507, %parallel_loop3A_508] {strides = array<i32>} : memref<4x4x4x1024xf32, #tpu.memory_space<vmem>>, vector<1x1x1x16xf32>,
        %parallel_loop3A_510 = vector.shape_cast %parallel_loop3A_509 : vector<1x1x1x16xf32> to vector<16xf32>
        %parallel_loop3A_511 = vector.shape_cast %parallel_loop3A_502 : vector<16xf32> to vector<1x1x1x16xf32>
        tpu.vector_store %arg5[%parallel_loop3A_505, %parallel_loop3A_506, %parallel_loop3A_507, %parallel_loop3A_508], %parallel_loop3A_511 {strides = array<i32>} : memref<4x4x4x1024xf32, #tpu.memory_space<vmem>>, vector<1x1x1x16xf32>,
      } {sc.loop_unroll_factor = 4 : i64, sc.parallel_access}
      %mul3A_179 = arith.constant 4 : i32
      %mul3A_180 = arith.muli %add3A_142, %mul3A_179 : i32
      %add3A_181 = arith.addi %mul3A_2, %mul3A_180 : i32
      %dma_start3A_182 = arith.constant 0 : i32
      %dma_start3A_183 = arith.constant 0 : i32
      %dma_start3A_184 = arith.constant 0 : i32
      %dma_start3A_185 = arith.constant 0 : i32
      %dma_start3A_186 = tpu.memref_slice %arg5[%dma_start3A_182, %dma_start3A_183, %dma_start3A_184, %dma_start3A_185] : memref<4x4x4x1024xf32, #tpu.memory_space<vmem>> -> memref<1x4x4x1024xf32, #tpu.memory_space<vmem>>
      %dma_start3A_187 = tpu.memref_squeeze %dma_start3A_186 : memref<1x4x4x1024xf32, #tpu.memory_space<vmem>> -> memref<4x4x1024xf32, #tpu.memory_space<vmem>>
      %dma_start3A_188 = arith.constant 0 : i32
      %dma_start3A_189 = arith.constant 0 : i32
      %dma_start3A_190 = tpu.memref_slice %arg4[%dma_start3A_188, %add3A_181, %dma_start3A_189] : memref<4x4096x1024xf32, #tpu.memory_space<hbm>> -> memref<4x4x1024xf32, #tpu.memory_space<hbm>>
      %dma_start3A_191 = arith.constant 0 : i32
      %dma_start3A_192 = arith.constant 0 : i32
      %dma_start3A_193 = tpu.memref_slice %arg4[%dma_start3A_191, %add3A_181, %dma_start3A_192] : memref<4x4096x1024xf32, #tpu.memory_space<hbm>> -> memref<4x4x1024xf32, #tpu.memory_space<hbm>>
      %dma_start3A_194 = arith.constant 0 : i32
      %dma_start3A_195 = arith.constant 0 : i32
      %dma_start3A_196 = arith.constant 0 : i32
      %dma_start3A_197 = tpu.memref_slice %arg5[%dma_start3A_182, %dma_start3A_194, %dma_start3A_195, %dma_start3A_196] : memref<4x4x4x1024xf32, #tpu.memory_space<vmem>> -> memref<1x4x4x1024xf32, #tpu.memory_space<vmem>>
      %dma_start3A_198 = tpu.memref_squeeze %dma_start3A_197 : memref<1x4x4x1024xf32, #tpu.memory_space<vmem>> -> memref<4x4x1024xf32, #tpu.memory_space<vmem>>
      tpu.enqueue_dma source(%dma_start3A_198 : memref<4x4x1024xf32, #tpu.memory_space<vmem>>) target(%dma_start3A_193 : memref<4x4x1024xf32, #tpu.memory_space<hbm>>) target_semaphore(%arg11 : memref<!tpu.dma_semaphore, #tpu.memory_space<semaphore_mem>>)
      %mul3A_199 = arith.constant 4 : i32
      %mul3A_200 = arith.muli %scan3A_138, %mul3A_199 : i32
      %add3A_201 = arith.constant 1 : i32
      %add3A_202 = arith.addi %mul3A_200, %add3A_201 : i32
      %add3A_203 = arith.constant 2 : i32
      %add3A_204 = arith.addi %add3A_202, %add3A_203 : i32
      %lt3A_205 = arith.constant 32 : i32
      %lt3A_206 = arith.cmpi slt, %add3A_204, %lt3A_205 : i32
      %convert_element_type3A_207 = arith.extui %lt3A_206 : i1 to i32
      %cond3A_208 = arith.constant 0 : i32
      %cond3A_209 = arith.cmpi ne, %convert_element_type3A_207, %cond3A_208 : i32
      scf.if %cond3A_209 {
        %ge3A = arith.constant 2 : i32
        %ge3A_391 = arith.cmpi sge, %add3A_202, %ge3A : i32
        %convert_element_type3A_392 = arith.extui %ge3A_391 : i1 to i32
        %cond3A_393 = arith.constant 0 : i32
        %cond3A_394 = arith.cmpi ne, %convert_element_type3A_392, %cond3A_393 : i32
        scf.if %cond3A_394 {
          %dma_wait3A_428 = arith.constant 3 : i32
          %dma_wait3A_429 = arith.constant 0 : i32
          %dma_wait3A_430 = arith.constant 0 : i32
          %dma_wait3A_431 = arith.constant 0 : i32
          %dma_wait3A_432 = tpu.memref_slice %arg5[%dma_wait3A_428, %dma_wait3A_429, %dma_wait3A_430, %dma_wait3A_431] : memref<4x4x4x1024xf32, #tpu.memory_space<vmem>> -> memref<1x4x4x1024xf32, #tpu.memory_space<vmem>>
          %dma_wait3A_433 = tpu.memref_squeeze %dma_wait3A_432 : memref<1x4x4x1024xf32, #tpu.memory_space<vmem>> -> memref<4x4x1024xf32, #tpu.memory_space<vmem>>
          %dma_wait3A_434 = arith.constant 0 : i32
          %dma_wait3A_435 = arith.constant 0 : i32
          %dma_wait3A_436 = tpu.memref_slice %arg4[%dma_wait3A_434, %mul3A_2, %dma_wait3A_435] : memref<4x4096x1024xf32, #tpu.memory_space<hbm>> -> memref<4x4x1024xf32, #tpu.memory_space<hbm>>
          %dma_wait3A_437 = arith.constant 0 : i32
          %dma_wait3A_438 = arith.constant 0 : i32
          %dma_wait3A_439 = tpu.memref_slice %arg4[%dma_wait3A_437, %mul3A_2, %dma_wait3A_438] : memref<4x4096x1024xf32, #tpu.memory_space<hbm>> -> memref<4x4x1024xf32, #tpu.memory_space<hbm>>
          %dma_wait3A_440 = arith.constant 0 : i32
          %dma_wait3A_441 = arith.constant 0 : i32
          %dma_wait3A_442 = arith.constant 0 : i32
          %dma_wait3A_443 = tpu.memref_slice %arg5[%dma_wait3A_428, %dma_wait3A_440, %dma_wait3A_441, %dma_wait3A_442] : memref<4x4x4x1024xf32, #tpu.memory_space<vmem>> -> memref<1x4x4x1024xf32, #tpu.memory_space<vmem>>
          %dma_wait3A_444 = tpu.memref_squeeze %dma_wait3A_443 : memref<1x4x4x1024xf32, #tpu.memory_space<vmem>> -> memref<4x4x1024xf32, #tpu.memory_space<vmem>>
          tpu.wait_dma2 semaphore(%arg14 : memref<!tpu.dma_semaphore, #tpu.memory_space<semaphore_mem>>) src(%dma_wait3A_444 : memref<4x4x1024xf32, #tpu.memory_space<vmem>>) dst(%dma_wait3A_439 : memref<4x4x1024xf32, #tpu.memory_space<hbm>>)
        } else {
        }
        %mul3A_395 = arith.constant 4 : i32
        %mul3A_396 = arith.muli %add3A_204, %mul3A_395 : i32
        %add3A_397 = arith.addi %mul3A_2, %mul3A_396 : i32
        %dma_start3A_398 = arith.constant 3 : i32
        %dma_start3A_399 = arith.constant 0 : i32
        %dma_start3A_400 = arith.constant 0 : i32
        %dma_start3A_401 = arith.constant 0 : i32
        %dma_start3A_402 = tpu.memref_slice %arg5[%dma_start3A_398, %dma_start3A_399, %dma_start3A_400, %dma_start3A_401] : memref<4x4x4x1024xf32, #tpu.memory_space<vmem>> -> memref<1x4x4x1024xf32, #tpu.memory_space<vmem>>
        %dma_start3A_403 = tpu.memref_squeeze %dma_start3A_402 : memref<1x4x4x1024xf32, #tpu.memory_space<vmem>> -> memref<4x4x1024xf32, #tpu.memory_space<vmem>>
        %dma_start3A_404 = arith.constant 0 : i32
        %dma_start3A_405 = arith.constant 0 : i32
        %dma_start3A_406 = tpu.memref_slice %arg2[%dma_start3A_404, %add3A_397, %dma_start3A_405] : memref<4x4096x1024xf32, #tpu.memory_space<hbm>> -> memref<4x4x1024xf32, #tpu.memory_space<hbm>>
        %dma_start3A_407 = arith.constant 0 : i32
        %dma_start3A_408 = arith.constant 0 : i32
        %dma_start3A_409 = arith.constant 0 : i32
        %dma_start3A_410 = tpu.memref_slice %arg5[%dma_start3A_398, %dma_start3A_407, %dma_start3A_408, %dma_start3A_409] : memref<4x4x4x1024xf32, #tpu.memory_space<vmem>> -> memref<1x4x4x1024xf32, #tpu.memory_space<vmem>>
        %dma_start3A_411 = tpu.memref_squeeze %dma_start3A_410 : memref<1x4x4x1024xf32, #tpu.memory_space<vmem>> -> memref<4x4x1024xf32, #tpu.memory_space<vmem>>
        %dma_start3A_412 = arith.constant 0 : i32
        %dma_start3A_413 = arith.constant 0 : i32
        %dma_start3A_414 = tpu.memref_slice %arg2[%dma_start3A_412, %add3A_397, %dma_start3A_413] : memref<4x4096x1024xf32, #tpu.memory_space<hbm>> -> memref<4x4x1024xf32, #tpu.memory_space<hbm>>
        tpu.enqueue_dma source(%dma_start3A_414 : memref<4x4x1024xf32, #tpu.memory_space<hbm>>) target(%dma_start3A_411 : memref<4x4x1024xf32, #tpu.memory_space<vmem>>) target_semaphore(%arg10 : memref<!tpu.dma_semaphore, #tpu.memory_space<semaphore_mem>>)
        %dma_start3A_415 = arith.constant 3 : i32
        %dma_start3A_416 = arith.constant 0 : i32
        %dma_start3A_417 = arith.constant 0 : i32
        %dma_start3A_418 = tpu.memref_slice %arg6[%dma_start3A_415, %dma_start3A_416, %dma_start3A_417] : memref<4x4x1024xf32, #tpu.memory_space<vmem>> -> memref<1x4x1024xf32, #tpu.memory_space<vmem>>
        %dma_start3A_419 = tpu.memref_squeeze %dma_start3A_418 : memref<1x4x1024xf32, #tpu.memory_space<vmem>> -> memref<4x1024xf32, #tpu.memory_space<vmem>>
        %dma_start3A_420 = arith.constant 0 : i32
        %dma_start3A_421 = tpu.memref_slice %arg3[%add3A_397, %dma_start3A_420] : memref<8192x1024xf32, #tpu.memory_space<hbm>> -> memref<4x1024xf32, #tpu.memory_space<hbm>>
        %dma_start3A_422 = arith.constant 0 : i32
        %dma_start3A_423 = arith.constant 0 : i32
        %dma_start3A_424 = tpu.memref_slice %arg6[%dma_start3A_415, %dma_start3A_422, %dma_start3A_423] : memref<4x4x1024xf32, #tpu.memory_space<vmem>> -> memref<1x4x1024xf32, #tpu.memory_space<vmem>>
        %dma_start3A_425 = tpu.memref_squeeze %dma_start3A_424 : memref<1x4x1024xf32, #tpu.memory_space<vmem>> -> memref<4x1024xf32, #tpu.memory_space<vmem>>
        %dma_start3A_426 = arith.constant 0 : i32
        %dma_start3A_427 = tpu.memref_slice %arg3[%add3A_397, %dma_start3A_426] : memref<8192x1024xf32, #tpu.memory_space<hbm>> -> memref<4x1024xf32, #tpu.memory_space<hbm>>
        tpu.enqueue_dma source(%dma_start3A_427 : memref<4x1024xf32, #tpu.memory_space<hbm>>) target(%dma_start3A_425 : memref<4x1024xf32, #tpu.memory_space<vmem>>) target_semaphore(%arg10 : memref<!tpu.dma_semaphore, #tpu.memory_space<semaphore_mem>>)
      } else {
      }
      %dma_wait3A_210 = arith.constant 1 : i32
      %dma_wait3A_211 = arith.constant 0 : i32
      %dma_wait3A_212 = arith.constant 0 : i32
      %dma_wait3A_213 = arith.constant 0 : i32
      %dma_wait3A_214 = tpu.memref_slice %arg5[%dma_wait3A_210, %dma_wait3A_211, %dma_wait3A_212, %dma_wait3A_213] : memref<4x4x4x1024xf32, #tpu.memory_space<vmem>> -> memref<1x4x4x1024xf32, #tpu.memory_space<vmem>>
      %dma_wait3A_215 = tpu.memref_squeeze %dma_wait3A_214 : memref<1x4x4x1024xf32, #tpu.memory_space<vmem>> -> memref<4x4x1024xf32, #tpu.memory_space<vmem>>
      %dma_wait3A_216 = arith.constant 0 : i32
      %dma_wait3A_217 = arith.constant 0 : i32
      %dma_wait3A_218 = tpu.memref_slice %arg2[%dma_wait3A_216, %mul3A_2, %dma_wait3A_217] : memref<4x4096x1024xf32, #tpu.memory_space<hbm>> -> memref<4x4x1024xf32, #tpu.memory_space<hbm>>
      %dma_wait3A_219 = arith.constant 0 : i32
      %dma_wait3A_220 = arith.constant 0 : i32
      %dma_wait3A_221 = arith.constant 0 : i32
      %dma_wait3A_222 = tpu.memref_slice %arg5[%dma_wait3A_210, %dma_wait3A_219, %dma_wait3A_220, %dma_wait3A_221] : memref<4x4x4x1024xf32, #tpu.memory_space<vmem>> -> memref<1x4x4x1024xf32, #tpu.memory_space<vmem>>
      %dma_wait3A_223 = tpu.memref_squeeze %dma_wait3A_222 : memref<1x4x4x1024xf32, #tpu.memory_space<vmem>> -> memref<4x4x1024xf32, #tpu.memory_space<vmem>>
      %dma_wait3A_224 = arith.constant 0 : i32
      %dma_wait3A_225 = arith.constant 0 : i32
      %dma_wait3A_226 = tpu.memref_slice %arg2[%dma_wait3A_224, %mul3A_2, %dma_wait3A_225] : memref<4x4096x1024xf32, #tpu.memory_space<hbm>> -> memref<4x4x1024xf32, #tpu.memory_space<hbm>>
      tpu.wait_dma2 semaphore(%arg8 : memref<!tpu.dma_semaphore, #tpu.memory_space<semaphore_mem>>) src(%dma_wait3A_226 : memref<4x4x1024xf32, #tpu.memory_space<hbm>>) dst(%dma_wait3A_223 : memref<4x4x1024xf32, #tpu.memory_space<vmem>>)
      %dma_wait3A_227 = arith.constant 1 : i32
      %dma_wait3A_228 = arith.constant 0 : i32
      %dma_wait3A_229 = arith.constant 0 : i32
      %dma_wait3A_230 = tpu.memref_slice %arg6[%dma_wait3A_227, %dma_wait3A_228, %dma_wait3A_229] : memref<4x4x1024xf32, #tpu.memory_space<vmem>> -> memref<1x4x1024xf32, #tpu.memory_space<vmem>>
      %dma_wait3A_231 = tpu.memref_squeeze %dma_wait3A_230 : memref<1x4x1024xf32, #tpu.memory_space<vmem>> -> memref<4x1024xf32, #tpu.memory_space<vmem>>
      %dma_wait3A_232 = arith.constant 0 : i32
      %dma_wait3A_233 = tpu.memref_slice %arg3[%mul3A_2, %dma_wait3A_232] : memref<8192x1024xf32, #tpu.memory_space<hbm>> -> memref<4x1024xf32, #tpu.memory_space<hbm>>
      %dma_wait3A_234 = arith.constant 0 : i32
      %dma_wait3A_235 = arith.constant 0 : i32
      %dma_wait3A_236 = tpu.memref_slice %arg6[%dma_wait3A_227, %dma_wait3A_234, %dma_wait3A_235] : memref<4x4x1024xf32, #tpu.memory_space<vmem>> -> memref<1x4x1024xf32, #tpu.memory_space<vmem>>
      %dma_wait3A_237 = tpu.memref_squeeze %dma_wait3A_236 : memref<1x4x1024xf32, #tpu.memory_space<vmem>> -> memref<4x1024xf32, #tpu.memory_space<vmem>>
      %dma_wait3A_238 = arith.constant 0 : i32
      %dma_wait3A_239 = tpu.memref_slice %arg3[%mul3A_2, %dma_wait3A_238] : memref<8192x1024xf32, #tpu.memory_space<hbm>> -> memref<4x1024xf32, #tpu.memory_space<hbm>>
      tpu.wait_dma2 semaphore(%arg8 : memref<!tpu.dma_semaphore, #tpu.memory_space<semaphore_mem>>) src(%dma_wait3A_239 : memref<4x1024xf32, #tpu.memory_space<hbm>>) dst(%dma_wait3A_237 : memref<4x1024xf32, #tpu.memory_space<vmem>>)
      %parallel_loop3A_240 = arith.constant 0 : i32
      %parallel_loop3A_241 = arith.constant 256 : i32
      %parallel_loop3A_242 = arith.constant 1 : i32
      scf.for %parallel_loop3A_391 = %parallel_loop3A_240 to %parallel_loop3A_241 step %parallel_loop3A_242  : i32 {
        %parallel_loop3A_392 = arith.constant 64 : i32
        %parallel_loop3A_393 = arith.divsi %parallel_loop3A_391, %parallel_loop3A_392 : i32
        %parallel_loop3A_394 = arith.constant 0 : i32
        %parallel_loop3A_395 = arith.cmpi sgt, %parallel_loop3A_391, %parallel_loop3A_394 : i32
        %parallel_loop3A_396 = arith.extui %parallel_loop3A_395 : i1 to i32
        %parallel_loop3A_397 = arith.constant 0 : i32
        %parallel_loop3A_398 = arith.cmpi slt, %parallel_loop3A_391, %parallel_loop3A_397 : i32
        %parallel_loop3A_399 = arith.extui %parallel_loop3A_398 : i1 to i32
        %parallel_loop3A_400 = arith.subi %parallel_loop3A_396, %parallel_loop3A_399 : i32
        %parallel_loop3A_401 = arith.constant 0 : i32
        %parallel_loop3A_402 = arith.cmpi sgt, %parallel_loop3A_392, %parallel_loop3A_401 : i32
        %parallel_loop3A_403 = arith.extui %parallel_loop3A_402 : i1 to i32
        %parallel_loop3A_404 = arith.constant 0 : i32
        %parallel_loop3A_405 = arith.cmpi slt, %parallel_loop3A_392, %parallel_loop3A_404 : i32
        %parallel_loop3A_406 = arith.extui %parallel_loop3A_405 : i1 to i32
        %parallel_loop3A_407 = arith.subi %parallel_loop3A_403, %parallel_loop3A_406 : i32
        %parallel_loop3A_408 = arith.cmpi ne, %parallel_loop3A_400, %parallel_loop3A_407 : i32
        %parallel_loop3A_409 = arith.remsi %parallel_loop3A_391, %parallel_loop3A_392 : i32
        %parallel_loop3A_410 = arith.constant 0 : i32
        %parallel_loop3A_411 = arith.cmpi ne, %parallel_loop3A_409, %parallel_loop3A_410 : i32
        %parallel_loop3A_412 = arith.andi %parallel_loop3A_408, %parallel_loop3A_411 : i1
        %parallel_loop3A_413 = arith.constant 1 : i32
        %parallel_loop3A_414 = arith.subi %parallel_loop3A_393, %parallel_loop3A_413 : i32
        %parallel_loop3A_415 = arith.select %parallel_loop3A_412, %parallel_loop3A_414, %parallel_loop3A_393 : i32
        %parallel_loop3A_416 = arith.constant 64 : i32
        %parallel_loop3A_417 = arith.constant 0 : i32
        %parallel_loop3A_418 = arith.cmpi eq, %parallel_loop3A_416, %parallel_loop3A_417 : i32
        %parallel_loop3A_419 = arith.constant 1 : i32
        %parallel_loop3A_420 = arith.select %parallel_loop3A_418, %parallel_loop3A_419, %parallel_loop3A_416 : i32
        %parallel_loop3A_421 = arith.remsi %parallel_loop3A_391, %parallel_loop3A_420 : i32
        %parallel_loop3A_422 = arith.constant 0 : i32
        %parallel_loop3A_423 = arith.cmpi ne, %parallel_loop3A_421, %parallel_loop3A_422 : i32
        %parallel_loop3A_424 = arith.constant 0 : i32
        %parallel_loop3A_425 = arith.cmpi slt, %parallel_loop3A_421, %parallel_loop3A_424 : i32
        %parallel_loop3A_426 = arith.constant 0 : i32
        %parallel_loop3A_427 = arith.cmpi slt, %parallel_loop3A_420, %parallel_loop3A_426 : i32
        %parallel_loop3A_428 = arith.xori %parallel_loop3A_425, %parallel_loop3A_427 : i1
        %parallel_loop3A_429 = arith.andi %parallel_loop3A_428, %parallel_loop3A_423 : i1
        %parallel_loop3A_430 = arith.addi %parallel_loop3A_421, %parallel_loop3A_420 : i32
        %parallel_loop3A_431 = arith.select %parallel_loop3A_429, %parallel_loop3A_430, %parallel_loop3A_421 : i32
        %parallel_loop3A_432 = arith.constant 16 : i32
        %parallel_loop3A_433 = arith.muli %parallel_loop3A_431, %parallel_loop3A_432 : i32
        %parallel_loop3A_434 = arith.constant 1 : i32
        %parallel_loop3A_435 = arith.index_cast %parallel_loop3A_434 : i32 to index
        %parallel_loop3A_436 = arith.index_cast %parallel_loop3A_415 : i32 to index
        %parallel_loop3A_437 = arith.index_cast %parallel_loop3A_433 : i32 to index
        %parallel_loop3A_438 = tpu.vector_load %arg6[%parallel_loop3A_435, %parallel_loop3A_436, %parallel_loop3A_437] {strides = array<i32>} : memref<4x4x1024xf32, #tpu.memory_space<vmem>>, vector<1x1x16xf32>,
        %parallel_loop3A_439 = vector.shape_cast %parallel_loop3A_438 : vector<1x1x16xf32> to vector<16xf32>
        %parallel_loop3A_440 = arith.constant 1 : i32
        %parallel_loop3A_441 = arith.constant 0 : i32
        %parallel_loop3A_442 = arith.index_cast %parallel_loop3A_440 : i32 to index
        %parallel_loop3A_443 = arith.index_cast %parallel_loop3A_441 : i32 to index
        %parallel_loop3A_444 = arith.index_cast %parallel_loop3A_415 : i32 to index
        %parallel_loop3A_445 = arith.index_cast %parallel_loop3A_433 : i32 to index
        %parallel_loop3A_446 = tpu.vector_load %arg5[%parallel_loop3A_442, %parallel_loop3A_443, %parallel_loop3A_444, %parallel_loop3A_445] {strides = array<i32>} : memref<4x4x4x1024xf32, #tpu.memory_space<vmem>>, vector<1x1x1x16xf32>,
        %parallel_loop3A_447 = vector.shape_cast %parallel_loop3A_446 : vector<1x1x1x16xf32> to vector<16xf32>
        %parallel_loop3A_448 = arith.addf %parallel_loop3A_447, %parallel_loop3A_439 : vector<16xf32>
        %parallel_loop3A_449 = arith.constant 1 : i32
        %parallel_loop3A_450 = arith.constant 0 : i32
        %parallel_loop3A_451 = arith.index_cast %parallel_loop3A_449 : i32 to index
        %parallel_loop3A_452 = arith.index_cast %parallel_loop3A_450 : i32 to index
        %parallel_loop3A_453 = arith.index_cast %parallel_loop3A_415 : i32 to index
        %parallel_loop3A_454 = arith.index_cast %parallel_loop3A_433 : i32 to index
        %parallel_loop3A_455 = tpu.vector_load %arg5[%parallel_loop3A_451, %parallel_loop3A_452, %parallel_loop3A_453, %parallel_loop3A_454] {strides = array<i32>} : memref<4x4x4x1024xf32, #tpu.memory_space<vmem>>, vector<1x1x1x16xf32>,
        %parallel_loop3A_456 = vector.shape_cast %parallel_loop3A_455 : vector<1x1x1x16xf32> to vector<16xf32>
        %parallel_loop3A_457 = vector.shape_cast %parallel_loop3A_448 : vector<16xf32> to vector<1x1x1x16xf32>
        tpu.vector_store %arg5[%parallel_loop3A_451, %parallel_loop3A_452, %parallel_loop3A_453, %parallel_loop3A_454], %parallel_loop3A_457 {strides = array<i32>} : memref<4x4x4x1024xf32, #tpu.memory_space<vmem>>, vector<1x1x1x16xf32>,
        %parallel_loop3A_458 = arith.constant 1 : i32
        %parallel_loop3A_459 = arith.constant 1 : i32
        %parallel_loop3A_460 = arith.index_cast %parallel_loop3A_458 : i32 to index
        %parallel_loop3A_461 = arith.index_cast %parallel_loop3A_459 : i32 to index
        %parallel_loop3A_462 = arith.index_cast %parallel_loop3A_415 : i32 to index
        %parallel_loop3A_463 = arith.index_cast %parallel_loop3A_433 : i32 to index
        %parallel_loop3A_464 = tpu.vector_load %arg5[%parallel_loop3A_460, %parallel_loop3A_461, %parallel_loop3A_462, %parallel_loop3A_463] {strides = array<i32>} : memref<4x4x4x1024xf32, #tpu.memory_space<vmem>>, vector<1x1x1x16xf32>,
        %parallel_loop3A_465 = vector.shape_cast %parallel_loop3A_464 : vector<1x1x1x16xf32> to vector<16xf32>
        %parallel_loop3A_466 = arith.addf %parallel_loop3A_465, %parallel_loop3A_439 : vector<16xf32>
        %parallel_loop3A_467 = arith.constant 1 : i32
        %parallel_loop3A_468 = arith.constant 1 : i32
        %parallel_loop3A_469 = arith.index_cast %parallel_loop3A_467 : i32 to index
        %parallel_loop3A_470 = arith.index_cast %parallel_loop3A_468 : i32 to index
        %parallel_loop3A_471 = arith.index_cast %parallel_loop3A_415 : i32 to index
        %parallel_loop3A_472 = arith.index_cast %parallel_loop3A_433 : i32 to index
        %parallel_loop3A_473 = tpu.vector_load %arg5[%parallel_loop3A_469, %parallel_loop3A_470, %parallel_loop3A_471, %parallel_loop3A_472] {strides = array<i32>} : memref<4x4x4x1024xf32, #tpu.memory_space<vmem>>, vector<1x1x1x16xf32>,
        %parallel_loop3A_474 = vector.shape_cast %parallel_loop3A_473 : vector<1x1x1x16xf32> to vector<16xf32>
        %parallel_loop3A_475 = vector.shape_cast %parallel_loop3A_466 : vector<16xf32> to vector<1x1x1x16xf32>
        tpu.vector_store %arg5[%parallel_loop3A_469, %parallel_loop3A_470, %parallel_loop3A_471, %parallel_loop3A_472], %parallel_loop3A_475 {strides = array<i32>} : memref<4x4x4x1024xf32, #tpu.memory_space<vmem>>, vector<1x1x1x16xf32>,
        %parallel_loop3A_476 = arith.constant 1 : i32
        %parallel_loop3A_477 = arith.constant 2 : i32
        %parallel_loop3A_478 = arith.index_cast %parallel_loop3A_476 : i32 to index
        %parallel_loop3A_479 = arith.index_cast %parallel_loop3A_477 : i32 to index
        %parallel_loop3A_480 = arith.index_cast %parallel_loop3A_415 : i32 to index
        %parallel_loop3A_481 = arith.index_cast %parallel_loop3A_433 : i32 to index
        %parallel_loop3A_482 = tpu.vector_load %arg5[%parallel_loop3A_478, %parallel_loop3A_479, %parallel_loop3A_480, %parallel_loop3A_481] {strides = array<i32>} : memref<4x4x4x1024xf32, #tpu.memory_space<vmem>>, vector<1x1x1x16xf32>,
        %parallel_loop3A_483 = vector.shape_cast %parallel_loop3A_482 : vector<1x1x1x16xf32> to vector<16xf32>
        %parallel_loop3A_484 = arith.addf %parallel_loop3A_483, %parallel_loop3A_439 : vector<16xf32>
        %parallel_loop3A_485 = arith.constant 1 : i32
        %parallel_loop3A_486 = arith.constant 2 : i32
        %parallel_loop3A_487 = arith.index_cast %parallel_loop3A_485 : i32 to index
        %parallel_loop3A_488 = arith.index_cast %parallel_loop3A_486 : i32 to index
        %parallel_loop3A_489 = arith.index_cast %parallel_loop3A_415 : i32 to index
        %parallel_loop3A_490 = arith.index_cast %parallel_loop3A_433 : i32 to index
        %parallel_loop3A_491 = tpu.vector_load %arg5[%parallel_loop3A_487, %parallel_loop3A_488, %parallel_loop3A_489, %parallel_loop3A_490] {strides = array<i32>} : memref<4x4x4x1024xf32, #tpu.memory_space<vmem>>, vector<1x1x1x16xf32>,
        %parallel_loop3A_492 = vector.shape_cast %parallel_loop3A_491 : vector<1x1x1x16xf32> to vector<16xf32>
        %parallel_loop3A_493 = vector.shape_cast %parallel_loop3A_484 : vector<16xf32> to vector<1x1x1x16xf32>
        tpu.vector_store %arg5[%parallel_loop3A_487, %parallel_loop3A_488, %parallel_loop3A_489, %parallel_loop3A_490], %parallel_loop3A_493 {strides = array<i32>} : memref<4x4x4x1024xf32, #tpu.memory_space<vmem>>, vector<1x1x1x16xf32>,
        %parallel_loop3A_494 = arith.constant 1 : i32
        %parallel_loop3A_495 = arith.constant 3 : i32
        %parallel_loop3A_496 = arith.index_cast %parallel_loop3A_494 : i32 to index
        %parallel_loop3A_497 = arith.index_cast %parallel_loop3A_495 : i32 to index
        %parallel_loop3A_498 = arith.index_cast %parallel_loop3A_415 : i32 to index
        %parallel_loop3A_499 = arith.index_cast %parallel_loop3A_433 : i32 to index
        %parallel_loop3A_500 = tpu.vector_load %arg5[%parallel_loop3A_496, %parallel_loop3A_497, %parallel_loop3A_498, %parallel_loop3A_499] {strides = array<i32>} : memref<4x4x4x1024xf32, #tpu.memory_space<vmem>>, vector<1x1x1x16xf32>,
        %parallel_loop3A_501 = vector.shape_cast %parallel_loop3A_500 : vector<1x1x1x16xf32> to vector<16xf32>
        %parallel_loop3A_502 = arith.addf %parallel_loop3A_501, %parallel_loop3A_439 : vector<16xf32>
        %parallel_loop3A_503 = arith.constant 1 : i32
        %parallel_loop3A_504 = arith.constant 3 : i32
        %parallel_loop3A_505 = arith.index_cast %parallel_loop3A_503 : i32 to index
        %parallel_loop3A_506 = arith.index_cast %parallel_loop3A_504 : i32 to index
        %parallel_loop3A_507 = arith.index_cast %parallel_loop3A_415 : i32 to index
        %parallel_loop3A_508 = arith.index_cast %parallel_loop3A_433 : i32 to index
        %parallel_loop3A_509 = tpu.vector_load %arg5[%parallel_loop3A_505, %parallel_loop3A_506, %parallel_loop3A_507, %parallel_loop3A_508] {strides = array<i32>} : memref<4x4x4x1024xf32, #tpu.memory_space<vmem>>, vector<1x1x1x16xf32>,
        %parallel_loop3A_510 = vector.shape_cast %parallel_loop3A_509 : vector<1x1x1x16xf32> to vector<16xf32>
        %parallel_loop3A_511 = vector.shape_cast %parallel_loop3A_502 : vector<16xf32> to vector<1x1x1x16xf32>
        tpu.vector_store %arg5[%parallel_loop3A_505, %parallel_loop3A_506, %parallel_loop3A_507, %parallel_loop3A_508], %parallel_loop3A_511 {strides = array<i32>} : memref<4x4x4x1024xf32, #tpu.memory_space<vmem>>, vector<1x1x1x16xf32>,
      } {sc.loop_unroll_factor = 4 : i64, sc.parallel_access}
      %mul3A_243 = arith.constant 4 : i32
      %mul3A_244 = arith.muli %add3A_202, %mul3A_243 : i32
      %add3A_245 = arith.addi %mul3A_2, %mul3A_244 : i32
      %dma_start3A_246 = arith.constant 1 : i32
      %dma_start3A_247 = arith.constant 0 : i32
      %dma_start3A_248 = arith.constant 0 : i32
      %dma_start3A_249 = arith.constant 0 : i32
      %dma_start3A_250 = tpu.memref_slice %arg5[%dma_start3A_246, %dma_start3A_247, %dma_start3A_248, %dma_start3A_249] : memref<4x4x4x1024xf32, #tpu.memory_space<vmem>> -> memref<1x4x4x1024xf32, #tpu.memory_space<vmem>>
      %dma_start3A_251 = tpu.memref_squeeze %dma_start3A_250 : memref<1x4x4x1024xf32, #tpu.memory_space<vmem>> -> memref<4x4x1024xf32, #tpu.memory_space<vmem>>
      %dma_start3A_252 = arith.constant 0 : i32
      %dma_start3A_253 = arith.constant 0 : i32
      %dma_start3A_254 = tpu.memref_slice %arg4[%dma_start3A_252, %add3A_245, %dma_start3A_253] : memref<4x4096x1024xf32, #tpu.memory_space<hbm>> -> memref<4x4x1024xf32, #tpu.memory_space<hbm>>
      %dma_start3A_255 = arith.constant 0 : i32
      %dma_start3A_256 = arith.constant 0 : i32
      %dma_start3A_257 = tpu.memref_slice %arg4[%dma_start3A_255, %add3A_245, %dma_start3A_256] : memref<4x4096x1024xf32, #tpu.memory_space<hbm>> -> memref<4x4x1024xf32, #tpu.memory_space<hbm>>
      %dma_start3A_258 = arith.constant 0 : i32
      %dma_start3A_259 = arith.constant 0 : i32
      %dma_start3A_260 = arith.constant 0 : i32
      %dma_start3A_261 = tpu.memref_slice %arg5[%dma_start3A_246, %dma_start3A_258, %dma_start3A_259, %dma_start3A_260] : memref<4x4x4x1024xf32, #tpu.memory_space<vmem>> -> memref<1x4x4x1024xf32, #tpu.memory_space<vmem>>
      %dma_start3A_262 = tpu.memref_squeeze %dma_start3A_261 : memref<1x4x4x1024xf32, #tpu.memory_space<vmem>> -> memref<4x4x1024xf32, #tpu.memory_space<vmem>>
      tpu.enqueue_dma source(%dma_start3A_262 : memref<4x4x1024xf32, #tpu.memory_space<vmem>>) target(%dma_start3A_257 : memref<4x4x1024xf32, #tpu.memory_space<hbm>>) target_semaphore(%arg12 : memref<!tpu.dma_semaphore, #tpu.memory_space<semaphore_mem>>)
      %mul3A_263 = arith.constant 4 : i32
      %mul3A_264 = arith.muli %scan3A_138, %mul3A_263 : i32
      %add3A_265 = arith.constant 2 : i32
      %add3A_266 = arith.addi %mul3A_264, %add3A_265 : i32
      %add3A_267 = arith.constant 2 : i32
      %add3A_268 = arith.addi %add3A_266, %add3A_267 : i32
      %lt3A_269 = arith.constant 32 : i32
      %lt3A_270 = arith.cmpi slt, %add3A_268, %lt3A_269 : i32
      %convert_element_type3A_271 = arith.extui %lt3A_270 : i1 to i32
      %cond3A_272 = arith.constant 0 : i32
      %cond3A_273 = arith.cmpi ne, %convert_element_type3A_271, %cond3A_272 : i32
      scf.if %cond3A_273 {
        %ge3A = arith.constant 2 : i32
        %ge3A_391 = arith.cmpi sge, %add3A_266, %ge3A : i32
        %convert_element_type3A_392 = arith.extui %ge3A_391 : i1 to i32
        %cond3A_393 = arith.constant 0 : i32
        %cond3A_394 = arith.cmpi ne, %convert_element_type3A_392, %cond3A_393 : i32
        scf.if %cond3A_394 {
          %dma_wait3A_428 = arith.constant 0 : i32
          %dma_wait3A_429 = arith.constant 0 : i32
          %dma_wait3A_430 = arith.constant 0 : i32
          %dma_wait3A_431 = arith.constant 0 : i32
          %dma_wait3A_432 = tpu.memref_slice %arg5[%dma_wait3A_428, %dma_wait3A_429, %dma_wait3A_430, %dma_wait3A_431] : memref<4x4x4x1024xf32, #tpu.memory_space<vmem>> -> memref<1x4x4x1024xf32, #tpu.memory_space<vmem>>
          %dma_wait3A_433 = tpu.memref_squeeze %dma_wait3A_432 : memref<1x4x4x1024xf32, #tpu.memory_space<vmem>> -> memref<4x4x1024xf32, #tpu.memory_space<vmem>>
          %dma_wait3A_434 = arith.constant 0 : i32
          %dma_wait3A_435 = arith.constant 0 : i32
          %dma_wait3A_436 = tpu.memref_slice %arg4[%dma_wait3A_434, %mul3A_2, %dma_wait3A_435] : memref<4x4096x1024xf32, #tpu.memory_space<hbm>> -> memref<4x4x1024xf32, #tpu.memory_space<hbm>>
          %dma_wait3A_437 = arith.constant 0 : i32
          %dma_wait3A_438 = arith.constant 0 : i32
          %dma_wait3A_439 = tpu.memref_slice %arg4[%dma_wait3A_437, %mul3A_2, %dma_wait3A_438] : memref<4x4096x1024xf32, #tpu.memory_space<hbm>> -> memref<4x4x1024xf32, #tpu.memory_space<hbm>>
          %dma_wait3A_440 = arith.constant 0 : i32
          %dma_wait3A_441 = arith.constant 0 : i32
          %dma_wait3A_442 = arith.constant 0 : i32
          %dma_wait3A_443 = tpu.memref_slice %arg5[%dma_wait3A_428, %dma_wait3A_440, %dma_wait3A_441, %dma_wait3A_442] : memref<4x4x4x1024xf32, #tpu.memory_space<vmem>> -> memref<1x4x4x1024xf32, #tpu.memory_space<vmem>>
          %dma_wait3A_444 = tpu.memref_squeeze %dma_wait3A_443 : memref<1x4x4x1024xf32, #tpu.memory_space<vmem>> -> memref<4x4x1024xf32, #tpu.memory_space<vmem>>
          tpu.wait_dma2 semaphore(%arg11 : memref<!tpu.dma_semaphore, #tpu.memory_space<semaphore_mem>>) src(%dma_wait3A_444 : memref<4x4x1024xf32, #tpu.memory_space<vmem>>) dst(%dma_wait3A_439 : memref<4x4x1024xf32, #tpu.memory_space<hbm>>)
        } else {
        }
        %mul3A_395 = arith.constant 4 : i32
        %mul3A_396 = arith.muli %add3A_268, %mul3A_395 : i32
        %add3A_397 = arith.addi %mul3A_2, %mul3A_396 : i32
        %dma_start3A_398 = arith.constant 0 : i32
        %dma_start3A_399 = arith.constant 0 : i32
        %dma_start3A_400 = arith.constant 0 : i32
        %dma_start3A_401 = arith.constant 0 : i32
        %dma_start3A_402 = tpu.memref_slice %arg5[%dma_start3A_398, %dma_start3A_399, %dma_start3A_400, %dma_start3A_401] : memref<4x4x4x1024xf32, #tpu.memory_space<vmem>> -> memref<1x4x4x1024xf32, #tpu.memory_space<vmem>>
        %dma_start3A_403 = tpu.memref_squeeze %dma_start3A_402 : memref<1x4x4x1024xf32, #tpu.memory_space<vmem>> -> memref<4x4x1024xf32, #tpu.memory_space<vmem>>
        %dma_start3A_404 = arith.constant 0 : i32
        %dma_start3A_405 = arith.constant 0 : i32
        %dma_start3A_406 = tpu.memref_slice %arg2[%dma_start3A_404, %add3A_397, %dma_start3A_405] : memref<4x4096x1024xf32, #tpu.memory_space<hbm>> -> memref<4x4x1024xf32, #tpu.memory_space<hbm>>
        %dma_start3A_407 = arith.constant 0 : i32
        %dma_start3A_408 = arith.constant 0 : i32
        %dma_start3A_409 = arith.constant 0 : i32
        %dma_start3A_410 = tpu.memref_slice %arg5[%dma_start3A_398, %dma_start3A_407, %dma_start3A_408, %dma_start3A_409] : memref<4x4x4x1024xf32, #tpu.memory_space<vmem>> -> memref<1x4x4x1024xf32, #tpu.memory_space<vmem>>
        %dma_start3A_411 = tpu.memref_squeeze %dma_start3A_410 : memref<1x4x4x1024xf32, #tpu.memory_space<vmem>> -> memref<4x4x1024xf32, #tpu.memory_space<vmem>>
        %dma_start3A_412 = arith.constant 0 : i32
        %dma_start3A_413 = arith.constant 0 : i32
        %dma_start3A_414 = tpu.memref_slice %arg2[%dma_start3A_412, %add3A_397, %dma_start3A_413] : memref<4x4096x1024xf32, #tpu.memory_space<hbm>> -> memref<4x4x1024xf32, #tpu.memory_space<hbm>>
        tpu.enqueue_dma source(%dma_start3A_414 : memref<4x4x1024xf32, #tpu.memory_space<hbm>>) target(%dma_start3A_411 : memref<4x4x1024xf32, #tpu.memory_space<vmem>>) target_semaphore(%arg7 : memref<!tpu.dma_semaphore, #tpu.memory_space<semaphore_mem>>)
        %dma_start3A_415 = arith.constant 0 : i32
        %dma_start3A_416 = arith.constant 0 : i32
        %dma_start3A_417 = arith.constant 0 : i32
        %dma_start3A_418 = tpu.memref_slice %arg6[%dma_start3A_415, %dma_start3A_416, %dma_start3A_417] : memref<4x4x1024xf32, #tpu.memory_space<vmem>> -> memref<1x4x1024xf32, #tpu.memory_space<vmem>>
        %dma_start3A_419 = tpu.memref_squeeze %dma_start3A_418 : memref<1x4x1024xf32, #tpu.memory_space<vmem>> -> memref<4x1024xf32, #tpu.memory_space<vmem>>
        %dma_start3A_420 = arith.constant 0 : i32
        %dma_start3A_421 = tpu.memref_slice %arg3[%add3A_397, %dma_start3A_420] : memref<8192x1024xf32, #tpu.memory_space<hbm>> -> memref<4x1024xf32, #tpu.memory_space<hbm>>
        %dma_start3A_422 = arith.constant 0 : i32
        %dma_start3A_423 = arith.constant 0 : i32
        %dma_start3A_424 = tpu.memref_slice %arg6[%dma_start3A_415, %dma_start3A_422, %dma_start3A_423] : memref<4x4x1024xf32, #tpu.memory_space<vmem>> -> memref<1x4x1024xf32, #tpu.memory_space<vmem>>
        %dma_start3A_425 = tpu.memref_squeeze %dma_start3A_424 : memref<1x4x1024xf32, #tpu.memory_space<vmem>> -> memref<4x1024xf32, #tpu.memory_space<vmem>>
        %dma_start3A_426 = arith.constant 0 : i32
        %dma_start3A_427 = tpu.memref_slice %arg3[%add3A_397, %dma_start3A_426] : memref<8192x1024xf32, #tpu.memory_space<hbm>> -> memref<4x1024xf32, #tpu.memory_space<hbm>>
        tpu.enqueue_dma source(%dma_start3A_427 : memref<4x1024xf32, #tpu.memory_space<hbm>>) target(%dma_start3A_425 : memref<4x1024xf32, #tpu.memory_space<vmem>>) target_semaphore(%arg7 : memref<!tpu.dma_semaphore, #tpu.memory_space<semaphore_mem>>)
      } else {
      }
      %dma_wait3A_274 = arith.constant 2 : i32
      %dma_wait3A_275 = arith.constant 0 : i32
      %dma_wait3A_276 = arith.constant 0 : i32
      %dma_wait3A_277 = arith.constant 0 : i32
      %dma_wait3A_278 = tpu.memref_slice %arg5[%dma_wait3A_274, %dma_wait3A_275, %dma_wait3A_276, %dma_wait3A_277] : memref<4x4x4x1024xf32, #tpu.memory_space<vmem>> -> memref<1x4x4x1024xf32, #tpu.memory_space<vmem>>
      %dma_wait3A_279 = tpu.memref_squeeze %dma_wait3A_278 : memref<1x4x4x1024xf32, #tpu.memory_space<vmem>> -> memref<4x4x1024xf32, #tpu.memory_space<vmem>>
      %dma_wait3A_280 = arith.constant 0 : i32
      %dma_wait3A_281 = arith.constant 0 : i32
      %dma_wait3A_282 = tpu.memref_slice %arg2[%dma_wait3A_280, %mul3A_2, %dma_wait3A_281] : memref<4x4096x1024xf32, #tpu.memory_space<hbm>> -> memref<4x4x1024xf32, #tpu.memory_space<hbm>>
      %dma_wait3A_283 = arith.constant 0 : i32
      %dma_wait3A_284 = arith.constant 0 : i32
      %dma_wait3A_285 = arith.constant 0 : i32
      %dma_wait3A_286 = tpu.memref_slice %arg5[%dma_wait3A_274, %dma_wait3A_283, %dma_wait3A_284, %dma_wait3A_285] : memref<4x4x4x1024xf32, #tpu.memory_space<vmem>> -> memref<1x4x4x1024xf32, #tpu.memory_space<vmem>>
      %dma_wait3A_287 = tpu.memref_squeeze %dma_wait3A_286 : memref<1x4x4x1024xf32, #tpu.memory_space<vmem>> -> memref<4x4x1024xf32, #tpu.memory_space<vmem>>
      %dma_wait3A_288 = arith.constant 0 : i32
      %dma_wait3A_289 = arith.constant 0 : i32
      %dma_wait3A_290 = tpu.memref_slice %arg2[%dma_wait3A_288, %mul3A_2, %dma_wait3A_289] : memref<4x4096x1024xf32, #tpu.memory_space<hbm>> -> memref<4x4x1024xf32, #tpu.memory_space<hbm>>
      tpu.wait_dma2 semaphore(%arg9 : memref<!tpu.dma_semaphore, #tpu.memory_space<semaphore_mem>>) src(%dma_wait3A_290 : memref<4x4x1024xf32, #tpu.memory_space<hbm>>) dst(%dma_wait3A_287 : memref<4x4x1024xf32, #tpu.memory_space<vmem>>)
      %dma_wait3A_291 = arith.constant 2 : i32
      %dma_wait3A_292 = arith.constant 0 : i32
      %dma_wait3A_293 = arith.constant 0 : i32
      %dma_wait3A_294 = tpu.memref_slice %arg6[%dma_wait3A_291, %dma_wait3A_292, %dma_wait3A_293] : memref<4x4x1024xf32, #tpu.memory_space<vmem>> -> memref<1x4x1024xf32, #tpu.memory_space<vmem>>
      %dma_wait3A_295 = tpu.memref_squeeze %dma_wait3A_294 : memref<1x4x1024xf32, #tpu.memory_space<vmem>> -> memref<4x1024xf32, #tpu.memory_space<vmem>>
      %dma_wait3A_296 = arith.constant 0 : i32
      %dma_wait3A_297 = tpu.memref_slice %arg3[%mul3A_2, %dma_wait3A_296] : memref<8192x1024xf32, #tpu.memory_space<hbm>> -> memref<4x1024xf32, #tpu.memory_space<hbm>>
      %dma_wait3A_298 = arith.constant 0 : i32
      %dma_wait3A_299 = arith.constant 0 : i32
      %dma_wait3A_300 = tpu.memref_slice %arg6[%dma_wait3A_291, %dma_wait3A_298, %dma_wait3A_299] : memref<4x4x1024xf32, #tpu.memory_space<vmem>> -> memref<1x4x1024xf32, #tpu.memory_space<vmem>>
      %dma_wait3A_301 = tpu.memref_squeeze %dma_wait3A_300 : memref<1x4x1024xf32, #tpu.memory_space<vmem>> -> memref<4x1024xf32, #tpu.memory_space<vmem>>
      %dma_wait3A_302 = arith.constant 0 : i32
      %dma_wait3A_303 = tpu.memref_slice %arg3[%mul3A_2, %dma_wait3A_302] : memref<8192x1024xf32, #tpu.memory_space<hbm>> -> memref<4x1024xf32, #tpu.memory_space<hbm>>
      tpu.wait_dma2 semaphore(%arg9 : memref<!tpu.dma_semaphore, #tpu.memory_space<semaphore_mem>>) src(%dma_wait3A_303 : memref<4x1024xf32, #tpu.memory_space<hbm>>) dst(%dma_wait3A_301 : memref<4x1024xf32, #tpu.memory_space<vmem>>)
      %parallel_loop3A_304 = arith.constant 0 : i32
      %parallel_loop3A_305 = arith.constant 256 : i32
      %parallel_loop3A_306 = arith.constant 1 : i32
      scf.for %parallel_loop3A_391 = %parallel_loop3A_304 to %parallel_loop3A_305 step %parallel_loop3A_306  : i32 {
        %parallel_loop3A_392 = arith.constant 64 : i32
        %parallel_loop3A_393 = arith.divsi %parallel_loop3A_391, %parallel_loop3A_392 : i32
        %parallel_loop3A_394 = arith.constant 0 : i32
        %parallel_loop3A_395 = arith.cmpi sgt, %parallel_loop3A_391, %parallel_loop3A_394 : i32
        %parallel_loop3A_396 = arith.extui %parallel_loop3A_395 : i1 to i32
        %parallel_loop3A_397 = arith.constant 0 : i32
        %parallel_loop3A_398 = arith.cmpi slt, %parallel_loop3A_391, %parallel_loop3A_397 : i32
        %parallel_loop3A_399 = arith.extui %parallel_loop3A_398 : i1 to i32
        %parallel_loop3A_400 = arith.subi %parallel_loop3A_396, %parallel_loop3A_399 : i32
        %parallel_loop3A_401 = arith.constant 0 : i32
        %parallel_loop3A_402 = arith.cmpi sgt, %parallel_loop3A_392, %parallel_loop3A_401 : i32
        %parallel_loop3A_403 = arith.extui %parallel_loop3A_402 : i1 to i32
        %parallel_loop3A_404 = arith.constant 0 : i32
        %parallel_loop3A_405 = arith.cmpi slt, %parallel_loop3A_392, %parallel_loop3A_404 : i32
        %parallel_loop3A_406 = arith.extui %parallel_loop3A_405 : i1 to i32
        %parallel_loop3A_407 = arith.subi %parallel_loop3A_403, %parallel_loop3A_406 : i32
        %parallel_loop3A_408 = arith.cmpi ne, %parallel_loop3A_400, %parallel_loop3A_407 : i32
        %parallel_loop3A_409 = arith.remsi %parallel_loop3A_391, %parallel_loop3A_392 : i32
        %parallel_loop3A_410 = arith.constant 0 : i32
        %parallel_loop3A_411 = arith.cmpi ne, %parallel_loop3A_409, %parallel_loop3A_410 : i32
        %parallel_loop3A_412 = arith.andi %parallel_loop3A_408, %parallel_loop3A_411 : i1
        %parallel_loop3A_413 = arith.constant 1 : i32
        %parallel_loop3A_414 = arith.subi %parallel_loop3A_393, %parallel_loop3A_413 : i32
        %parallel_loop3A_415 = arith.select %parallel_loop3A_412, %parallel_loop3A_414, %parallel_loop3A_393 : i32
        %parallel_loop3A_416 = arith.constant 64 : i32
        %parallel_loop3A_417 = arith.constant 0 : i32
        %parallel_loop3A_418 = arith.cmpi eq, %parallel_loop3A_416, %parallel_loop3A_417 : i32
        %parallel_loop3A_419 = arith.constant 1 : i32
        %parallel_loop3A_420 = arith.select %parallel_loop3A_418, %parallel_loop3A_419, %parallel_loop3A_416 : i32
        %parallel_loop3A_421 = arith.remsi %parallel_loop3A_391, %parallel_loop3A_420 : i32
        %parallel_loop3A_422 = arith.constant 0 : i32
        %parallel_loop3A_423 = arith.cmpi ne, %parallel_loop3A_421, %parallel_loop3A_422 : i32
        %parallel_loop3A_424 = arith.constant 0 : i32
        %parallel_loop3A_425 = arith.cmpi slt, %parallel_loop3A_421, %parallel_loop3A_424 : i32
        %parallel_loop3A_426 = arith.constant 0 : i32
        %parallel_loop3A_427 = arith.cmpi slt, %parallel_loop3A_420, %parallel_loop3A_426 : i32
        %parallel_loop3A_428 = arith.xori %parallel_loop3A_425, %parallel_loop3A_427 : i1
        %parallel_loop3A_429 = arith.andi %parallel_loop3A_428, %parallel_loop3A_423 : i1
        %parallel_loop3A_430 = arith.addi %parallel_loop3A_421, %parallel_loop3A_420 : i32
        %parallel_loop3A_431 = arith.select %parallel_loop3A_429, %parallel_loop3A_430, %parallel_loop3A_421 : i32
        %parallel_loop3A_432 = arith.constant 16 : i32
        %parallel_loop3A_433 = arith.muli %parallel_loop3A_431, %parallel_loop3A_432 : i32
        %parallel_loop3A_434 = arith.constant 2 : i32
        %parallel_loop3A_435 = arith.index_cast %parallel_loop3A_434 : i32 to index
        %parallel_loop3A_436 = arith.index_cast %parallel_loop3A_415 : i32 to index
        %parallel_loop3A_437 = arith.index_cast %parallel_loop3A_433 : i32 to index
        %parallel_loop3A_438 = tpu.vector_load %arg6[%parallel_loop3A_435, %parallel_loop3A_436, %parallel_loop3A_437] {strides = array<i32>} : memref<4x4x1024xf32, #tpu.memory_space<vmem>>, vector<1x1x16xf32>,
        %parallel_loop3A_439 = vector.shape_cast %parallel_loop3A_438 : vector<1x1x16xf32> to vector<16xf32>
        %parallel_loop3A_440 = arith.constant 2 : i32
        %parallel_loop3A_441 = arith.constant 0 : i32
        %parallel_loop3A_442 = arith.index_cast %parallel_loop3A_440 : i32 to index
        %parallel_loop3A_443 = arith.index_cast %parallel_loop3A_441 : i32 to index
        %parallel_loop3A_444 = arith.index_cast %parallel_loop3A_415 : i32 to index
        %parallel_loop3A_445 = arith.index_cast %parallel_loop3A_433 : i32 to index
        %parallel_loop3A_446 = tpu.vector_load %arg5[%parallel_loop3A_442, %parallel_loop3A_443, %parallel_loop3A_444, %parallel_loop3A_445] {strides = array<i32>} : memref<4x4x4x1024xf32, #tpu.memory_space<vmem>>, vector<1x1x1x16xf32>,
        %parallel_loop3A_447 = vector.shape_cast %parallel_loop3A_446 : vector<1x1x1x16xf32> to vector<16xf32>
        %parallel_loop3A_448 = arith.addf %parallel_loop3A_447, %parallel_loop3A_439 : vector<16xf32>
        %parallel_loop3A_449 = arith.constant 2 : i32
        %parallel_loop3A_450 = arith.constant 0 : i32
        %parallel_loop3A_451 = arith.index_cast %parallel_loop3A_449 : i32 to index
        %parallel_loop3A_452 = arith.index_cast %parallel_loop3A_450 : i32 to index
        %parallel_loop3A_453 = arith.index_cast %parallel_loop3A_415 : i32 to index
        %parallel_loop3A_454 = arith.index_cast %parallel_loop3A_433 : i32 to index
        %parallel_loop3A_455 = tpu.vector_load %arg5[%parallel_loop3A_451, %parallel_loop3A_452, %parallel_loop3A_453, %parallel_loop3A_454] {strides = array<i32>} : memref<4x4x4x1024xf32, #tpu.memory_space<vmem>>, vector<1x1x1x16xf32>,
        %parallel_loop3A_456 = vector.shape_cast %parallel_loop3A_455 : vector<1x1x1x16xf32> to vector<16xf32>
        %parallel_loop3A_457 = vector.shape_cast %parallel_loop3A_448 : vector<16xf32> to vector<1x1x1x16xf32>
        tpu.vector_store %arg5[%parallel_loop3A_451, %parallel_loop3A_452, %parallel_loop3A_453, %parallel_loop3A_454], %parallel_loop3A_457 {strides = array<i32>} : memref<4x4x4x1024xf32, #tpu.memory_space<vmem>>, vector<1x1x1x16xf32>,
        %parallel_loop3A_458 = arith.constant 2 : i32
        %parallel_loop3A_459 = arith.constant 1 : i32
        %parallel_loop3A_460 = arith.index_cast %parallel_loop3A_458 : i32 to index
        %parallel_loop3A_461 = arith.index_cast %parallel_loop3A_459 : i32 to index
        %parallel_loop3A_462 = arith.index_cast %parallel_loop3A_415 : i32 to index
        %parallel_loop3A_463 = arith.index_cast %parallel_loop3A_433 : i32 to index
        %parallel_loop3A_464 = tpu.vector_load %arg5[%parallel_loop3A_460, %parallel_loop3A_461, %parallel_loop3A_462, %parallel_loop3A_463] {strides = array<i32>} : memref<4x4x4x1024xf32, #tpu.memory_space<vmem>>, vector<1x1x1x16xf32>,
        %parallel_loop3A_465 = vector.shape_cast %parallel_loop3A_464 : vector<1x1x1x16xf32> to vector<16xf32>
        %parallel_loop3A_466 = arith.addf %parallel_loop3A_465, %parallel_loop3A_439 : vector<16xf32>
        %parallel_loop3A_467 = arith.constant 2 : i32
        %parallel_loop3A_468 = arith.constant 1 : i32
        %parallel_loop3A_469 = arith.index_cast %parallel_loop3A_467 : i32 to index
        %parallel_loop3A_470 = arith.index_cast %parallel_loop3A_468 : i32 to index
        %parallel_loop3A_471 = arith.index_cast %parallel_loop3A_415 : i32 to index
        %parallel_loop3A_472 = arith.index_cast %parallel_loop3A_433 : i32 to index
        %parallel_loop3A_473 = tpu.vector_load %arg5[%parallel_loop3A_469, %parallel_loop3A_470, %parallel_loop3A_471, %parallel_loop3A_472] {strides = array<i32>} : memref<4x4x4x1024xf32, #tpu.memory_space<vmem>>, vector<1x1x1x16xf32>,
        %parallel_loop3A_474 = vector.shape_cast %parallel_loop3A_473 : vector<1x1x1x16xf32> to vector<16xf32>
        %parallel_loop3A_475 = vector.shape_cast %parallel_loop3A_466 : vector<16xf32> to vector<1x1x1x16xf32>
        tpu.vector_store %arg5[%parallel_loop3A_469, %parallel_loop3A_470, %parallel_loop3A_471, %parallel_loop3A_472], %parallel_loop3A_475 {strides = array<i32>} : memref<4x4x4x1024xf32, #tpu.memory_space<vmem>>, vector<1x1x1x16xf32>,
        %parallel_loop3A_476 = arith.constant 2 : i32
        %parallel_loop3A_477 = arith.constant 2 : i32
        %parallel_loop3A_478 = arith.index_cast %parallel_loop3A_476 : i32 to index
        %parallel_loop3A_479 = arith.index_cast %parallel_loop3A_477 : i32 to index
        %parallel_loop3A_480 = arith.index_cast %parallel_loop3A_415 : i32 to index
        %parallel_loop3A_481 = arith.index_cast %parallel_loop3A_433 : i32 to index
        %parallel_loop3A_482 = tpu.vector_load %arg5[%parallel_loop3A_478, %parallel_loop3A_479, %parallel_loop3A_480, %parallel_loop3A_481] {strides = array<i32>} : memref<4x4x4x1024xf32, #tpu.memory_space<vmem>>, vector<1x1x1x16xf32>,
        %parallel_loop3A_483 = vector.shape_cast %parallel_loop3A_482 : vector<1x1x1x16xf32> to vector<16xf32>
        %parallel_loop3A_484 = arith.addf %parallel_loop3A_483, %parallel_loop3A_439 : vector<16xf32>
        %parallel_loop3A_485 = arith.constant 2 : i32
        %parallel_loop3A_486 = arith.constant 2 : i32
        %parallel_loop3A_487 = arith.index_cast %parallel_loop3A_485 : i32 to index
        %parallel_loop3A_488 = arith.index_cast %parallel_loop3A_486 : i32 to index
        %parallel_loop3A_489 = arith.index_cast %parallel_loop3A_415 : i32 to index
        %parallel_loop3A_490 = arith.index_cast %parallel_loop3A_433 : i32 to index
        %parallel_loop3A_491 = tpu.vector_load %arg5[%parallel_loop3A_487, %parallel_loop3A_488, %parallel_loop3A_489, %parallel_loop3A_490] {strides = array<i32>} : memref<4x4x4x1024xf32, #tpu.memory_space<vmem>>, vector<1x1x1x16xf32>,
        %parallel_loop3A_492 = vector.shape_cast %parallel_loop3A_491 : vector<1x1x1x16xf32> to vector<16xf32>
        %parallel_loop3A_493 = vector.shape_cast %parallel_loop3A_484 : vector<16xf32> to vector<1x1x1x16xf32>
        tpu.vector_store %arg5[%parallel_loop3A_487, %parallel_loop3A_488, %parallel_loop3A_489, %parallel_loop3A_490], %parallel_loop3A_493 {strides = array<i32>} : memref<4x4x4x1024xf32, #tpu.memory_space<vmem>>, vector<1x1x1x16xf32>,
        %parallel_loop3A_494 = arith.constant 2 : i32
        %parallel_loop3A_495 = arith.constant 3 : i32
        %parallel_loop3A_496 = arith.index_cast %parallel_loop3A_494 : i32 to index
        %parallel_loop3A_497 = arith.index_cast %parallel_loop3A_495 : i32 to index
        %parallel_loop3A_498 = arith.index_cast %parallel_loop3A_415 : i32 to index
        %parallel_loop3A_499 = arith.index_cast %parallel_loop3A_433 : i32 to index
        %parallel_loop3A_500 = tpu.vector_load %arg5[%parallel_loop3A_496, %parallel_loop3A_497, %parallel_loop3A_498, %parallel_loop3A_499] {strides = array<i32>} : memref<4x4x4x1024xf32, #tpu.memory_space<vmem>>, vector<1x1x1x16xf32>,
        %parallel_loop3A_501 = vector.shape_cast %parallel_loop3A_500 : vector<1x1x1x16xf32> to vector<16xf32>
        %parallel_loop3A_502 = arith.addf %parallel_loop3A_501, %parallel_loop3A_439 : vector<16xf32>
        %parallel_loop3A_503 = arith.constant 2 : i32
        %parallel_loop3A_504 = arith.constant 3 : i32
        %parallel_loop3A_505 = arith.index_cast %parallel_loop3A_503 : i32 to index
        %parallel_loop3A_506 = arith.index_cast %parallel_loop3A_504 : i32 to index
        %parallel_loop3A_507 = arith.index_cast %parallel_loop3A_415 : i32 to index
        %parallel_loop3A_508 = arith.index_cast %parallel_loop3A_433 : i32 to index
        %parallel_loop3A_509 = tpu.vector_load %arg5[%parallel_loop3A_505, %parallel_loop3A_506, %parallel_loop3A_507, %parallel_loop3A_508] {strides = array<i32>} : memref<4x4x4x1024xf32, #tpu.memory_space<vmem>>, vector<1x1x1x16xf32>,
        %parallel_loop3A_510 = vector.shape_cast %parallel_loop3A_509 : vector<1x1x1x16xf32> to vector<16xf32>
        %parallel_loop3A_511 = vector.shape_cast %parallel_loop3A_502 : vector<16xf32> to vector<1x1x1x16xf32>
        tpu.vector_store %arg5[%parallel_loop3A_505, %parallel_loop3A_506, %parallel_loop3A_507, %parallel_loop3A_508], %parallel_loop3A_511 {strides = array<i32>} : memref<4x4x4x1024xf32, #tpu.memory_space<vmem>>, vector<1x1x1x16xf32>,
      } {sc.loop_unroll_factor = 4 : i64, sc.parallel_access}
      %mul3A_307 = arith.constant 4 : i32
      %mul3A_308 = arith.muli %add3A_266, %mul3A_307 : i32
      %add3A_309 = arith.addi %mul3A_2, %mul3A_308 : i32
      %dma_start3A_310 = arith.constant 2 : i32
      %dma_start3A_311 = arith.constant 0 : i32
      %dma_start3A_312 = arith.constant 0 : i32
      %dma_start3A_313 = arith.constant 0 : i32
      %dma_start3A_314 = tpu.memref_slice %arg5[%dma_start3A_310, %dma_start3A_311, %dma_start3A_312, %dma_start3A_313] : memref<4x4x4x1024xf32, #tpu.memory_space<vmem>> -> memref<1x4x4x1024xf32, #tpu.memory_space<vmem>>
      %dma_start3A_315 = tpu.memref_squeeze %dma_start3A_314 : memref<1x4x4x1024xf32, #tpu.memory_space<vmem>> -> memref<4x4x1024xf32, #tpu.memory_space<vmem>>
      %dma_start3A_316 = arith.constant 0 : i32
      %dma_start3A_317 = arith.constant 0 : i32
      %dma_start3A_318 = tpu.memref_slice %arg4[%dma_start3A_316, %add3A_309, %dma_start3A_317] : memref<4x4096x1024xf32, #tpu.memory_space<hbm>> -> memref<4x4x1024xf32, #tpu.memory_space<hbm>>
      %dma_start3A_319 = arith.constant 0 : i32
      %dma_start3A_320 = arith.constant 0 : i32
      %dma_start3A_321 = tpu.memref_slice %arg4[%dma_start3A_319, %add3A_309, %dma_start3A_320] : memref<4x4096x1024xf32, #tpu.memory_space<hbm>> -> memref<4x4x1024xf32, #tpu.memory_space<hbm>>
      %dma_start3A_322 = arith.constant 0 : i32
      %dma_start3A_323 = arith.constant 0 : i32
      %dma_start3A_324 = arith.constant 0 : i32
      %dma_start3A_325 = tpu.memref_slice %arg5[%dma_start3A_310, %dma_start3A_322, %dma_start3A_323, %dma_start3A_324] : memref<4x4x4x1024xf32, #tpu.memory_space<vmem>> -> memref<1x4x4x1024xf32, #tpu.memory_space<vmem>>
      %dma_start3A_326 = tpu.memref_squeeze %dma_start3A_325 : memref<1x4x4x1024xf32, #tpu.memory_space<vmem>> -> memref<4x4x1024xf32, #tpu.memory_space<vmem>>
      tpu.enqueue_dma source(%dma_start3A_326 : memref<4x4x1024xf32, #tpu.memory_space<vmem>>) target(%dma_start3A_321 : memref<4x4x1024xf32, #tpu.memory_space<hbm>>) target_semaphore(%arg13 : memref<!tpu.dma_semaphore, #tpu.memory_space<semaphore_mem>>)
      %mul3A_327 = arith.constant 4 : i32
      %mul3A_328 = arith.muli %scan3A_138, %mul3A_327 : i32
      %add3A_329 = arith.constant 3 : i32
      %add3A_330 = arith.addi %mul3A_328, %add3A_329 : i32
      %add3A_331 = arith.constant 2 : i32
      %add3A_332 = arith.addi %add3A_330, %add3A_331 : i32
      %lt3A_333 = arith.constant 32 : i32
      %lt3A_334 = arith.cmpi slt, %add3A_332, %lt3A_333 : i32
      %convert_element_type3A_335 = arith.extui %lt3A_334 : i1 to i32
      %cond3A_336 = arith.constant 0 : i32
      %cond3A_337 = arith.cmpi ne, %convert_element_type3A_335, %cond3A_336 : i32
      scf.if %cond3A_337 {
        %ge3A = arith.constant 2 : i32
        %ge3A_391 = arith.cmpi sge, %add3A_330, %ge3A : i32
        %convert_element_type3A_392 = arith.extui %ge3A_391 : i1 to i32
        %cond3A_393 = arith.constant 0 : i32
        %cond3A_394 = arith.cmpi ne, %convert_element_type3A_392, %cond3A_393 : i32
        scf.if %cond3A_394 {
          %dma_wait3A_428 = arith.constant 1 : i32
          %dma_wait3A_429 = arith.constant 0 : i32
          %dma_wait3A_430 = arith.constant 0 : i32
          %dma_wait3A_431 = arith.constant 0 : i32
          %dma_wait3A_432 = tpu.memref_slice %arg5[%dma_wait3A_428, %dma_wait3A_429, %dma_wait3A_430, %dma_wait3A_431] : memref<4x4x4x1024xf32, #tpu.memory_space<vmem>> -> memref<1x4x4x1024xf32, #tpu.memory_space<vmem>>
          %dma_wait3A_433 = tpu.memref_squeeze %dma_wait3A_432 : memref<1x4x4x1024xf32, #tpu.memory_space<vmem>> -> memref<4x4x1024xf32, #tpu.memory_space<vmem>>
          %dma_wait3A_434 = arith.constant 0 : i32
          %dma_wait3A_435 = arith.constant 0 : i32
          %dma_wait3A_436 = tpu.memref_slice %arg4[%dma_wait3A_434, %mul3A_2, %dma_wait3A_435] : memref<4x4096x1024xf32, #tpu.memory_space<hbm>> -> memref<4x4x1024xf32, #tpu.memory_space<hbm>>
          %dma_wait3A_437 = arith.constant 0 : i32
          %dma_wait3A_438 = arith.constant 0 : i32
          %dma_wait3A_439 = tpu.memref_slice %arg4[%dma_wait3A_437, %mul3A_2, %dma_wait3A_438] : memref<4x4096x1024xf32, #tpu.memory_space<hbm>> -> memref<4x4x1024xf32, #tpu.memory_space<hbm>>
          %dma_wait3A_440 = arith.constant 0 : i32
          %dma_wait3A_441 = arith.constant 0 : i32
          %dma_wait3A_442 = arith.constant 0 : i32
          %dma_wait3A_443 = tpu.memref_slice %arg5[%dma_wait3A_428, %dma_wait3A_440, %dma_wait3A_441, %dma_wait3A_442] : memref<4x4x4x1024xf32, #tpu.memory_space<vmem>> -> memref<1x4x4x1024xf32, #tpu.memory_space<vmem>>
          %dma_wait3A_444 = tpu.memref_squeeze %dma_wait3A_443 : memref<1x4x4x1024xf32, #tpu.memory_space<vmem>> -> memref<4x4x1024xf32, #tpu.memory_space<vmem>>
          tpu.wait_dma2 semaphore(%arg12 : memref<!tpu.dma_semaphore, #tpu.memory_space<semaphore_mem>>) src(%dma_wait3A_444 : memref<4x4x1024xf32, #tpu.memory_space<vmem>>) dst(%dma_wait3A_439 : memref<4x4x1024xf32, #tpu.memory_space<hbm>>)
        } else {
        }
        %mul3A_395 = arith.constant 4 : i32
        %mul3A_396 = arith.muli %add3A_332, %mul3A_395 : i32
        %add3A_397 = arith.addi %mul3A_2, %mul3A_396 : i32
        %dma_start3A_398 = arith.constant 1 : i32
        %dma_start3A_399 = arith.constant 0 : i32
        %dma_start3A_400 = arith.constant 0 : i32
        %dma_start3A_401 = arith.constant 0 : i32
        %dma_start3A_402 = tpu.memref_slice %arg5[%dma_start3A_398, %dma_start3A_399, %dma_start3A_400, %dma_start3A_401] : memref<4x4x4x1024xf32, #tpu.memory_space<vmem>> -> memref<1x4x4x1024xf32, #tpu.memory_space<vmem>>
        %dma_start3A_403 = tpu.memref_squeeze %dma_start3A_402 : memref<1x4x4x1024xf32, #tpu.memory_space<vmem>> -> memref<4x4x1024xf32, #tpu.memory_space<vmem>>
        %dma_start3A_404 = arith.constant 0 : i32
        %dma_start3A_405 = arith.constant 0 : i32
        %dma_start3A_406 = tpu.memref_slice %arg2[%dma_start3A_404, %add3A_397, %dma_start3A_405] : memref<4x4096x1024xf32, #tpu.memory_space<hbm>> -> memref<4x4x1024xf32, #tpu.memory_space<hbm>>
        %dma_start3A_407 = arith.constant 0 : i32
        %dma_start3A_408 = arith.constant 0 : i32
        %dma_start3A_409 = arith.constant 0 : i32
        %dma_start3A_410 = tpu.memref_slice %arg5[%dma_start3A_398, %dma_start3A_407, %dma_start3A_408, %dma_start3A_409] : memref<4x4x4x1024xf32, #tpu.memory_space<vmem>> -> memref<1x4x4x1024xf32, #tpu.memory_space<vmem>>
        %dma_start3A_411 = tpu.memref_squeeze %dma_start3A_410 : memref<1x4x4x1024xf32, #tpu.memory_space<vmem>> -> memref<4x4x1024xf32, #tpu.memory_space<vmem>>
        %dma_start3A_412 = arith.constant 0 : i32
        %dma_start3A_413 = arith.constant 0 : i32
        %dma_start3A_414 = tpu.memref_slice %arg2[%dma_start3A_412, %add3A_397, %dma_start3A_413] : memref<4x4096x1024xf32, #tpu.memory_space<hbm>> -> memref<4x4x1024xf32, #tpu.memory_space<hbm>>
        tpu.enqueue_dma source(%dma_start3A_414 : memref<4x4x1024xf32, #tpu.memory_space<hbm>>) target(%dma_start3A_411 : memref<4x4x1024xf32, #tpu.memory_space<vmem>>) target_semaphore(%arg8 : memref<!tpu.dma_semaphore, #tpu.memory_space<semaphore_mem>>)
        %dma_start3A_415 = arith.constant 1 : i32
        %dma_start3A_416 = arith.constant 0 : i32
        %dma_start3A_417 = arith.constant 0 : i32
        %dma_start3A_418 = tpu.memref_slice %arg6[%dma_start3A_415, %dma_start3A_416, %dma_start3A_417] : memref<4x4x1024xf32, #tpu.memory_space<vmem>> -> memref<1x4x1024xf32, #tpu.memory_space<vmem>>
        %dma_start3A_419 = tpu.memref_squeeze %dma_start3A_418 : memref<1x4x1024xf32, #tpu.memory_space<vmem>> -> memref<4x1024xf32, #tpu.memory_space<vmem>>
        %dma_start3A_420 = arith.constant 0 : i32
        %dma_start3A_421 = tpu.memref_slice %arg3[%add3A_397, %dma_start3A_420] : memref<8192x1024xf32, #tpu.memory_space<hbm>> -> memref<4x1024xf32, #tpu.memory_space<hbm>>
        %dma_start3A_422 = arith.constant 0 : i32
        %dma_start3A_423 = arith.constant 0 : i32
        %dma_start3A_424 = tpu.memref_slice %arg6[%dma_start3A_415, %dma_start3A_422, %dma_start3A_423] : memref<4x4x1024xf32, #tpu.memory_space<vmem>> -> memref<1x4x1024xf32, #tpu.memory_space<vmem>>
        %dma_start3A_425 = tpu.memref_squeeze %dma_start3A_424 : memref<1x4x1024xf32, #tpu.memory_space<vmem>> -> memref<4x1024xf32, #tpu.memory_space<vmem>>
        %dma_start3A_426 = arith.constant 0 : i32
        %dma_start3A_427 = tpu.memref_slice %arg3[%add3A_397, %dma_start3A_426] : memref<8192x1024xf32, #tpu.memory_space<hbm>> -> memref<4x1024xf32, #tpu.memory_space<hbm>>
        tpu.enqueue_dma source(%dma_start3A_427 : memref<4x1024xf32, #tpu.memory_space<hbm>>) target(%dma_start3A_425 : memref<4x1024xf32, #tpu.memory_space<vmem>>) target_semaphore(%arg8 : memref<!tpu.dma_semaphore, #tpu.memory_space<semaphore_mem>>)
      } else {
      }
      %dma_wait3A_338 = arith.constant 3 : i32
      %dma_wait3A_339 = arith.constant 0 : i32
      %dma_wait3A_340 = arith.constant 0 : i32
      %dma_wait3A_341 = arith.constant 0 : i32
      %dma_wait3A_342 = tpu.memref_slice %arg5[%dma_wait3A_338, %dma_wait3A_339, %dma_wait3A_340, %dma_wait3A_341] : memref<4x4x4x1024xf32, #tpu.memory_space<vmem>> -> memref<1x4x4x1024xf32, #tpu.memory_space<vmem>>
      %dma_wait3A_343 = tpu.memref_squeeze %dma_wait3A_342 : memref<1x4x4x1024xf32, #tpu.memory_space<vmem>> -> memref<4x4x1024xf32, #tpu.memory_space<vmem>>
      %dma_wait3A_344 = arith.constant 0 : i32
      %dma_wait3A_345 = arith.constant 0 : i32
      %dma_wait3A_346 = tpu.memref_slice %arg2[%dma_wait3A_344, %mul3A_2, %dma_wait3A_345] : memref<4x4096x1024xf32, #tpu.memory_space<hbm>> -> memref<4x4x1024xf32, #tpu.memory_space<hbm>>
      %dma_wait3A_347 = arith.constant 0 : i32
      %dma_wait3A_348 = arith.constant 0 : i32
      %dma_wait3A_349 = arith.constant 0 : i32
      %dma_wait3A_350 = tpu.memref_slice %arg5[%dma_wait3A_338, %dma_wait3A_347, %dma_wait3A_348, %dma_wait3A_349] : memref<4x4x4x1024xf32, #tpu.memory_space<vmem>> -> memref<1x4x4x1024xf32, #tpu.memory_space<vmem>>
      %dma_wait3A_351 = tpu.memref_squeeze %dma_wait3A_350 : memref<1x4x4x1024xf32, #tpu.memory_space<vmem>> -> memref<4x4x1024xf32, #tpu.memory_space<vmem>>
      %dma_wait3A_352 = arith.constant 0 : i32
      %dma_wait3A_353 = arith.constant 0 : i32
      %dma_wait3A_354 = tpu.memref_slice %arg2[%dma_wait3A_352, %mul3A_2, %dma_wait3A_353] : memref<4x4096x1024xf32, #tpu.memory_space<hbm>> -> memref<4x4x1024xf32, #tpu.memory_space<hbm>>
      tpu.wait_dma2 semaphore(%arg10 : memref<!tpu.dma_semaphore, #tpu.memory_space<semaphore_mem>>) src(%dma_wait3A_354 : memref<4x4x1024xf32, #tpu.memory_space<hbm>>) dst(%dma_wait3A_351 : memref<4x4x1024xf32, #tpu.memory_space<vmem>>)
      %dma_wait3A_355 = arith.constant 3 : i32
      %dma_wait3A_356 = arith.constant 0 : i32
      %dma_wait3A_357 = arith.constant 0 : i32
      %dma_wait3A_358 = tpu.memref_slice %arg6[%dma_wait3A_355, %dma_wait3A_356, %dma_wait3A_357] : memref<4x4x1024xf32, #tpu.memory_space<vmem>> -> memref<1x4x1024xf32, #tpu.memory_space<vmem>>
      %dma_wait3A_359 = tpu.memref_squeeze %dma_wait3A_358 : memref<1x4x1024xf32, #tpu.memory_space<vmem>> -> memref<4x1024xf32, #tpu.memory_space<vmem>>
      %dma_wait3A_360 = arith.constant 0 : i32
      %dma_wait3A_361 = tpu.memref_slice %arg3[%mul3A_2, %dma_wait3A_360] : memref<8192x1024xf32, #tpu.memory_space<hbm>> -> memref<4x1024xf32, #tpu.memory_space<hbm>>
      %dma_wait3A_362 = arith.constant 0 : i32
      %dma_wait3A_363 = arith.constant 0 : i32
      %dma_wait3A_364 = tpu.memref_slice %arg6[%dma_wait3A_355, %dma_wait3A_362, %dma_wait3A_363] : memref<4x4x1024xf32, #tpu.memory_space<vmem>> -> memref<1x4x1024xf32, #tpu.memory_space<vmem>>
      %dma_wait3A_365 = tpu.memref_squeeze %dma_wait3A_364 : memref<1x4x1024xf32, #tpu.memory_space<vmem>> -> memref<4x1024xf32, #tpu.memory_space<vmem>>
      %dma_wait3A_366 = arith.constant 0 : i32
      %dma_wait3A_367 = tpu.memref_slice %arg3[%mul3A_2, %dma_wait3A_366] : memref<8192x1024xf32, #tpu.memory_space<hbm>> -> memref<4x1024xf32, #tpu.memory_space<hbm>>
      tpu.wait_dma2 semaphore(%arg10 : memref<!tpu.dma_semaphore, #tpu.memory_space<semaphore_mem>>) src(%dma_wait3A_367 : memref<4x1024xf32, #tpu.memory_space<hbm>>) dst(%dma_wait3A_365 : memref<4x1024xf32, #tpu.memory_space<vmem>>)
      %parallel_loop3A_368 = arith.constant 0 : i32
      %parallel_loop3A_369 = arith.constant 256 : i32
      %parallel_loop3A_370 = arith.constant 1 : i32
      scf.for %parallel_loop3A_391 = %parallel_loop3A_368 to %parallel_loop3A_369 step %parallel_loop3A_370  : i32 {
        %parallel_loop3A_392 = arith.constant 64 : i32
        %parallel_loop3A_393 = arith.divsi %parallel_loop3A_391, %parallel_loop3A_392 : i32
        %parallel_loop3A_394 = arith.constant 0 : i32
        %parallel_loop3A_395 = arith.cmpi sgt, %parallel_loop3A_391, %parallel_loop3A_394 : i32
        %parallel_loop3A_396 = arith.extui %parallel_loop3A_395 : i1 to i32
        %parallel_loop3A_397 = arith.constant 0 : i32
        %parallel_loop3A_398 = arith.cmpi slt, %parallel_loop3A_391, %parallel_loop3A_397 : i32
        %parallel_loop3A_399 = arith.extui %parallel_loop3A_398 : i1 to i32
        %parallel_loop3A_400 = arith.subi %parallel_loop3A_396, %parallel_loop3A_399 : i32
        %parallel_loop3A_401 = arith.constant 0 : i32
        %parallel_loop3A_402 = arith.cmpi sgt, %parallel_loop3A_392, %parallel_loop3A_401 : i32
        %parallel_loop3A_403 = arith.extui %parallel_loop3A_402 : i1 to i32
        %parallel_loop3A_404 = arith.constant 0 : i32
        %parallel_loop3A_405 = arith.cmpi slt, %parallel_loop3A_392, %parallel_loop3A_404 : i32
        %parallel_loop3A_406 = arith.extui %parallel_loop3A_405 : i1 to i32
        %parallel_loop3A_407 = arith.subi %parallel_loop3A_403, %parallel_loop3A_406 : i32
        %parallel_loop3A_408 = arith.cmpi ne, %parallel_loop3A_400, %parallel_loop3A_407 : i32
        %parallel_loop3A_409 = arith.remsi %parallel_loop3A_391, %parallel_loop3A_392 : i32
        %parallel_loop3A_410 = arith.constant 0 : i32
        %parallel_loop3A_411 = arith.cmpi ne, %parallel_loop3A_409, %parallel_loop3A_410 : i32
        %parallel_loop3A_412 = arith.andi %parallel_loop3A_408, %parallel_loop3A_411 : i1
        %parallel_loop3A_413 = arith.constant 1 : i32
        %parallel_loop3A_414 = arith.subi %parallel_loop3A_393, %parallel_loop3A_413 : i32
        %parallel_loop3A_415 = arith.select %parallel_loop3A_412, %parallel_loop3A_414, %parallel_loop3A_393 : i32
        %parallel_loop3A_416 = arith.constant 64 : i32
        %parallel_loop3A_417 = arith.constant 0 : i32
        %parallel_loop3A_418 = arith.cmpi eq, %parallel_loop3A_416, %parallel_loop3A_417 : i32
        %parallel_loop3A_419 = arith.constant 1 : i32
        %parallel_loop3A_420 = arith.select %parallel_loop3A_418, %parallel_loop3A_419, %parallel_loop3A_416 : i32
        %parallel_loop3A_421 = arith.remsi %parallel_loop3A_391, %parallel_loop3A_420 : i32
        %parallel_loop3A_422 = arith.constant 0 : i32
        %parallel_loop3A_423 = arith.cmpi ne, %parallel_loop3A_421, %parallel_loop3A_422 : i32
        %parallel_loop3A_424 = arith.constant 0 : i32
        %parallel_loop3A_425 = arith.cmpi slt, %parallel_loop3A_421, %parallel_loop3A_424 : i32
        %parallel_loop3A_426 = arith.constant 0 : i32
        %parallel_loop3A_427 = arith.cmpi slt, %parallel_loop3A_420, %parallel_loop3A_426 : i32
        %parallel_loop3A_428 = arith.xori %parallel_loop3A_425, %parallel_loop3A_427 : i1
        %parallel_loop3A_429 = arith.andi %parallel_loop3A_428, %parallel_loop3A_423 : i1
        %parallel_loop3A_430 = arith.addi %parallel_loop3A_421, %parallel_loop3A_420 : i32
        %parallel_loop3A_431 = arith.select %parallel_loop3A_429, %parallel_loop3A_430, %parallel_loop3A_421 : i32
        %parallel_loop3A_432 = arith.constant 16 : i32
        %parallel_loop3A_433 = arith.muli %parallel_loop3A_431, %parallel_loop3A_432 : i32
        %parallel_loop3A_434 = arith.constant 3 : i32
        %parallel_loop3A_435 = arith.index_cast %parallel_loop3A_434 : i32 to index
        %parallel_loop3A_436 = arith.index_cast %parallel_loop3A_415 : i32 to index
        %parallel_loop3A_437 = arith.index_cast %parallel_loop3A_433 : i32 to index
        %parallel_loop3A_438 = tpu.vector_load %arg6[%parallel_loop3A_435, %parallel_loop3A_436, %parallel_loop3A_437] {strides = array<i32>} : memref<4x4x1024xf32, #tpu.memory_space<vmem>>, vector<1x1x16xf32>,
        %parallel_loop3A_439 = vector.shape_cast %parallel_loop3A_438 : vector<1x1x16xf32> to vector<16xf32>
        %parallel_loop3A_440 = arith.constant 3 : i32
        %parallel_loop3A_441 = arith.constant 0 : i32
        %parallel_loop3A_442 = arith.index_cast %parallel_loop3A_440 : i32 to index
        %parallel_loop3A_443 = arith.index_cast %parallel_loop3A_441 : i32 to index
        %parallel_loop3A_444 = arith.index_cast %parallel_loop3A_415 : i32 to index
        %parallel_loop3A_445 = arith.index_cast %parallel_loop3A_433 : i32 to index
        %parallel_loop3A_446 = tpu.vector_load %arg5[%parallel_loop3A_442, %parallel_loop3A_443, %parallel_loop3A_444, %parallel_loop3A_445] {strides = array<i32>} : memref<4x4x4x1024xf32, #tpu.memory_space<vmem>>, vector<1x1x1x16xf32>,
        %parallel_loop3A_447 = vector.shape_cast %parallel_loop3A_446 : vector<1x1x1x16xf32> to vector<16xf32>
        %parallel_loop3A_448 = arith.addf %parallel_loop3A_447, %parallel_loop3A_439 : vector<16xf32>
        %parallel_loop3A_449 = arith.constant 3 : i32
        %parallel_loop3A_450 = arith.constant 0 : i32
        %parallel_loop3A_451 = arith.index_cast %parallel_loop3A_449 : i32 to index
        %parallel_loop3A_452 = arith.index_cast %parallel_loop3A_450 : i32 to index
        %parallel_loop3A_453 = arith.index_cast %parallel_loop3A_415 : i32 to index
        %parallel_loop3A_454 = arith.index_cast %parallel_loop3A_433 : i32 to index
        %parallel_loop3A_455 = tpu.vector_load %arg5[%parallel_loop3A_451, %parallel_loop3A_452, %parallel_loop3A_453, %parallel_loop3A_454] {strides = array<i32>} : memref<4x4x4x1024xf32, #tpu.memory_space<vmem>>, vector<1x1x1x16xf32>,
        %parallel_loop3A_456 = vector.shape_cast %parallel_loop3A_455 : vector<1x1x1x16xf32> to vector<16xf32>
        %parallel_loop3A_457 = vector.shape_cast %parallel_loop3A_448 : vector<16xf32> to vector<1x1x1x16xf32>
        tpu.vector_store %arg5[%parallel_loop3A_451, %parallel_loop3A_452, %parallel_loop3A_453, %parallel_loop3A_454], %parallel_loop3A_457 {strides = array<i32>} : memref<4x4x4x1024xf32, #tpu.memory_space<vmem>>, vector<1x1x1x16xf32>,
        %parallel_loop3A_458 = arith.constant 3 : i32
        %parallel_loop3A_459 = arith.constant 1 : i32
        %parallel_loop3A_460 = arith.index_cast %parallel_loop3A_458 : i32 to index
        %parallel_loop3A_461 = arith.index_cast %parallel_loop3A_459 : i32 to index
        %parallel_loop3A_462 = arith.index_cast %parallel_loop3A_415 : i32 to index
        %parallel_loop3A_463 = arith.index_cast %parallel_loop3A_433 : i32 to index
        %parallel_loop3A_464 = tpu.vector_load %arg5[%parallel_loop3A_460, %parallel_loop3A_461, %parallel_loop3A_462, %parallel_loop3A_463] {strides = array<i32>} : memref<4x4x4x1024xf32, #tpu.memory_space<vmem>>, vector<1x1x1x16xf32>,
        %parallel_loop3A_465 = vector.shape_cast %parallel_loop3A_464 : vector<1x1x1x16xf32> to vector<16xf32>
        %parallel_loop3A_466 = arith.addf %parallel_loop3A_465, %parallel_loop3A_439 : vector<16xf32>
        %parallel_loop3A_467 = arith.constant 3 : i32
        %parallel_loop3A_468 = arith.constant 1 : i32
        %parallel_loop3A_469 = arith.index_cast %parallel_loop3A_467 : i32 to index
        %parallel_loop3A_470 = arith.index_cast %parallel_loop3A_468 : i32 to index
        %parallel_loop3A_471 = arith.index_cast %parallel_loop3A_415 : i32 to index
        %parallel_loop3A_472 = arith.index_cast %parallel_loop3A_433 : i32 to index
        %parallel_loop3A_473 = tpu.vector_load %arg5[%parallel_loop3A_469, %parallel_loop3A_470, %parallel_loop3A_471, %parallel_loop3A_472] {strides = array<i32>} : memref<4x4x4x1024xf32, #tpu.memory_space<vmem>>, vector<1x1x1x16xf32>,
        %parallel_loop3A_474 = vector.shape_cast %parallel_loop3A_473 : vector<1x1x1x16xf32> to vector<16xf32>
        %parallel_loop3A_475 = vector.shape_cast %parallel_loop3A_466 : vector<16xf32> to vector<1x1x1x16xf32>
        tpu.vector_store %arg5[%parallel_loop3A_469, %parallel_loop3A_470, %parallel_loop3A_471, %parallel_loop3A_472], %parallel_loop3A_475 {strides = array<i32>} : memref<4x4x4x1024xf32, #tpu.memory_space<vmem>>, vector<1x1x1x16xf32>,
        %parallel_loop3A_476 = arith.constant 3 : i32
        %parallel_loop3A_477 = arith.constant 2 : i32
        %parallel_loop3A_478 = arith.index_cast %parallel_loop3A_476 : i32 to index
        %parallel_loop3A_479 = arith.index_cast %parallel_loop3A_477 : i32 to index
        %parallel_loop3A_480 = arith.index_cast %parallel_loop3A_415 : i32 to index
        %parallel_loop3A_481 = arith.index_cast %parallel_loop3A_433 : i32 to index
        %parallel_loop3A_482 = tpu.vector_load %arg5[%parallel_loop3A_478, %parallel_loop3A_479, %parallel_loop3A_480, %parallel_loop3A_481] {strides = array<i32>} : memref<4x4x4x1024xf32, #tpu.memory_space<vmem>>, vector<1x1x1x16xf32>,
        %parallel_loop3A_483 = vector.shape_cast %parallel_loop3A_482 : vector<1x1x1x16xf32> to vector<16xf32>
        %parallel_loop3A_484 = arith.addf %parallel_loop3A_483, %parallel_loop3A_439 : vector<16xf32>
        %parallel_loop3A_485 = arith.constant 3 : i32
        %parallel_loop3A_486 = arith.constant 2 : i32
        %parallel_loop3A_487 = arith.index_cast %parallel_loop3A_485 : i32 to index
        %parallel_loop3A_488 = arith.index_cast %parallel_loop3A_486 : i32 to index
        %parallel_loop3A_489 = arith.index_cast %parallel_loop3A_415 : i32 to index
        %parallel_loop3A_490 = arith.index_cast %parallel_loop3A_433 : i32 to index
        %parallel_loop3A_491 = tpu.vector_load %arg5[%parallel_loop3A_487, %parallel_loop3A_488, %parallel_loop3A_489, %parallel_loop3A_490] {strides = array<i32>} : memref<4x4x4x1024xf32, #tpu.memory_space<vmem>>, vector<1x1x1x16xf32>,
        %parallel_loop3A_492 = vector.shape_cast %parallel_loop3A_491 : vector<1x1x1x16xf32> to vector<16xf32>
        %parallel_loop3A_493 = vector.shape_cast %parallel_loop3A_484 : vector<16xf32> to vector<1x1x1x16xf32>
        tpu.vector_store %arg5[%parallel_loop3A_487, %parallel_loop3A_488, %parallel_loop3A_489, %parallel_loop3A_490], %parallel_loop3A_493 {strides = array<i32>} : memref<4x4x4x1024xf32, #tpu.memory_space<vmem>>, vector<1x1x1x16xf32>,
        %parallel_loop3A_494 = arith.constant 3 : i32
        %parallel_loop3A_495 = arith.constant 3 : i32
        %parallel_loop3A_496 = arith.index_cast %parallel_loop3A_494 : i32 to index
        %parallel_loop3A_497 = arith.index_cast %parallel_loop3A_495 : i32 to index
        %parallel_loop3A_498 = arith.index_cast %parallel_loop3A_415 : i32 to index
        %parallel_loop3A_499 = arith.index_cast %parallel_loop3A_433 : i32 to index
        %parallel_loop3A_500 = tpu.vector_load %arg5[%parallel_loop3A_496, %parallel_loop3A_497, %parallel_loop3A_498, %parallel_loop3A_499] {strides = array<i32>} : memref<4x4x4x1024xf32, #tpu.memory_space<vmem>>, vector<1x1x1x16xf32>,
        %parallel_loop3A_501 = vector.shape_cast %parallel_loop3A_500 : vector<1x1x1x16xf32> to vector<16xf32>
        %parallel_loop3A_502 = arith.addf %parallel_loop3A_501, %parallel_loop3A_439 : vector<16xf32>
        %parallel_loop3A_503 = arith.constant 3 : i32
        %parallel_loop3A_504 = arith.constant 3 : i32
        %parallel_loop3A_505 = arith.index_cast %parallel_loop3A_503 : i32 to index
        %parallel_loop3A_506 = arith.index_cast %parallel_loop3A_504 : i32 to index
        %parallel_loop3A_507 = arith.index_cast %parallel_loop3A_415 : i32 to index
        %parallel_loop3A_508 = arith.index_cast %parallel_loop3A_433 : i32 to index
        %parallel_loop3A_509 = tpu.vector_load %arg5[%parallel_loop3A_505, %parallel_loop3A_506, %parallel_loop3A_507, %parallel_loop3A_508] {strides = array<i32>} : memref<4x4x4x1024xf32, #tpu.memory_space<vmem>>, vector<1x1x1x16xf32>,
        %parallel_loop3A_510 = vector.shape_cast %parallel_loop3A_509 : vector<1x1x1x16xf32> to vector<16xf32>
        %parallel_loop3A_511 = vector.shape_cast %parallel_loop3A_502 : vector<16xf32> to vector<1x1x1x16xf32>
        tpu.vector_store %arg5[%parallel_loop3A_505, %parallel_loop3A_506, %parallel_loop3A_507, %parallel_loop3A_508], %parallel_loop3A_511 {strides = array<i32>} : memref<4x4x4x1024xf32, #tpu.memory_space<vmem>>, vector<1x1x1x16xf32>,
      } {sc.loop_unroll_factor = 4 : i64, sc.parallel_access}
      %mul3A_371 = arith.constant 4 : i32
      %mul3A_372 = arith.muli %add3A_330, %mul3A_371 : i32
      %add3A_373 = arith.addi %mul3A_2, %mul3A_372 : i32
      %dma_start3A_374 = arith.constant 3 : i32
      %dma_start3A_375 = arith.constant 0 : i32
      %dma_start3A_376 = arith.constant 0 : i32
      %dma_start3A_377 = arith.constant 0 : i32
      %dma_start3A_378 = tpu.memref_slice %arg5[%dma_start3A_374, %dma_start3A_375, %dma_start3A_376, %dma_start3A_377] : memref<4x4x4x1024xf32, #tpu.memory_space<vmem>> -> memref<1x4x4x1024xf32, #tpu.memory_space<vmem>>
      %dma_start3A_379 = tpu.memref_squeeze %dma_start3A_378 : memref<1x4x4x1024xf32, #tpu.memory_space<vmem>> -> memref<4x4x1024xf32, #tpu.memory_space<vmem>>
      %dma_start3A_380 = arith.constant 0 : i32
      %dma_start3A_381 = arith.constant 0 : i32
      %dma_start3A_382 = tpu.memref_slice %arg4[%dma_start3A_380, %add3A_373, %dma_start3A_381] : memref<4x4096x1024xf32, #tpu.memory_space<hbm>> -> memref<4x4x1024xf32, #tpu.memory_space<hbm>>
      %dma_start3A_383 = arith.constant 0 : i32
      %dma_start3A_384 = arith.constant 0 : i32
      %dma_start3A_385 = tpu.memref_slice %arg4[%dma_start3A_383, %add3A_373, %dma_start3A_384] : memref<4x4096x1024xf32, #tpu.memory_space<hbm>> -> memref<4x4x1024xf32, #tpu.memory_space<hbm>>
      %dma_start3A_386 = arith.constant 0 : i32
      %dma_start3A_387 = arith.constant 0 : i32
      %dma_start3A_388 = arith.constant 0 : i32
      %dma_start3A_389 = tpu.memref_slice %arg5[%dma_start3A_374, %dma_start3A_386, %dma_start3A_387, %dma_start3A_388] : memref<4x4x4x1024xf32, #tpu.memory_space<vmem>> -> memref<1x4x4x1024xf32, #tpu.memory_space<vmem>>
      %dma_start3A_390 = tpu.memref_squeeze %dma_start3A_389 : memref<1x4x4x1024xf32, #tpu.memory_space<vmem>> -> memref<4x4x1024xf32, #tpu.memory_space<vmem>>
      tpu.enqueue_dma source(%dma_start3A_390 : memref<4x4x1024xf32, #tpu.memory_space<vmem>>) target(%dma_start3A_385 : memref<4x4x1024xf32, #tpu.memory_space<hbm>>) target_semaphore(%arg14 : memref<!tpu.dma_semaphore, #tpu.memory_space<semaphore_mem>>)
    }
    %scan3A_70 = arith.constant 8 : i32
    %dma_wait3A = arith.constant 0 : i32
    %dma_wait3A_71 = arith.constant 0 : i32
    %dma_wait3A_72 = arith.constant 0 : i32
    %dma_wait3A_73 = arith.constant 0 : i32
    %dma_wait3A_74 = tpu.memref_slice %arg5[%dma_wait3A, %dma_wait3A_71, %dma_wait3A_72, %dma_wait3A_73] : memref<4x4x4x1024xf32, #tpu.memory_space<vmem>> -> memref<1x4x4x1024xf32, #tpu.memory_space<vmem>>
    %dma_wait3A_75 = tpu.memref_squeeze %dma_wait3A_74 : memref<1x4x4x1024xf32, #tpu.memory_space<vmem>> -> memref<4x4x1024xf32, #tpu.memory_space<vmem>>
    %dma_wait3A_76 = arith.constant 0 : i32
    %dma_wait3A_77 = arith.constant 0 : i32
    %dma_wait3A_78 = tpu.memref_slice %arg4[%dma_wait3A_76, %mul3A_2, %dma_wait3A_77] : memref<4x4096x1024xf32, #tpu.memory_space<hbm>> -> memref<4x4x1024xf32, #tpu.memory_space<hbm>>
    %dma_wait3A_79 = arith.constant 0 : i32
    %dma_wait3A_80 = arith.constant 0 : i32
    %dma_wait3A_81 = tpu.memref_slice %arg4[%dma_wait3A_79, %mul3A_2, %dma_wait3A_80] : memref<4x4096x1024xf32, #tpu.memory_space<hbm>> -> memref<4x4x1024xf32, #tpu.memory_space<hbm>>
    %dma_wait3A_82 = arith.constant 0 : i32
    %dma_wait3A_83 = arith.constant 0 : i32
    %dma_wait3A_84 = arith.constant 0 : i32
    %dma_wait3A_85 = tpu.memref_slice %arg5[%dma_wait3A, %dma_wait3A_82, %dma_wait3A_83, %dma_wait3A_84] : memref<4x4x4x1024xf32, #tpu.memory_space<vmem>> -> memref<1x4x4x1024xf32, #tpu.memory_space<vmem>>
    %dma_wait3A_86 = tpu.memref_squeeze %dma_wait3A_85 : memref<1x4x4x1024xf32, #tpu.memory_space<vmem>> -> memref<4x4x1024xf32, #tpu.memory_space<vmem>>
    tpu.wait_dma2 semaphore(%arg11 : memref<!tpu.dma_semaphore, #tpu.memory_space<semaphore_mem>>) src(%dma_wait3A_86 : memref<4x4x1024xf32, #tpu.memory_space<vmem>>) dst(%dma_wait3A_81 : memref<4x4x1024xf32, #tpu.memory_space<hbm>>)
    %dma_wait3A_87 = arith.constant 1 : i32
    %dma_wait3A_88 = arith.constant 0 : i32
    %dma_wait3A_89 = arith.constant 0 : i32
    %dma_wait3A_90 = arith.constant 0 : i32
    %dma_wait3A_91 = tpu.memref_slice %arg5[%dma_wait3A_87, %dma_wait3A_88, %dma_wait3A_89, %dma_wait3A_90] : memref<4x4x4x1024xf32, #tpu.memory_space<vmem>> -> memref<1x4x4x1024xf32, #tpu.memory_space<vmem>>
    %dma_wait3A_92 = tpu.memref_squeeze %dma_wait3A_91 : memref<1x4x4x1024xf32, #tpu.memory_space<vmem>> -> memref<4x4x1024xf32, #tpu.memory_space<vmem>>
    %dma_wait3A_93 = arith.constant 0 : i32
    %dma_wait3A_94 = arith.constant 0 : i32
    %dma_wait3A_95 = tpu.memref_slice %arg4[%dma_wait3A_93, %mul3A_2, %dma_wait3A_94] : memref<4x4096x1024xf32, #tpu.memory_space<hbm>> -> memref<4x4x1024xf32, #tpu.memory_space<hbm>>
    %dma_wait3A_96 = arith.constant 0 : i32
    %dma_wait3A_97 = arith.constant 0 : i32
    %dma_wait3A_98 = tpu.memref_slice %arg4[%dma_wait3A_96, %mul3A_2, %dma_wait3A_97] : memref<4x4096x1024xf32, #tpu.memory_space<hbm>> -> memref<4x4x1024xf32, #tpu.memory_space<hbm>>
    %dma_wait3A_99 = arith.constant 0 : i32
    %dma_wait3A_100 = arith.constant 0 : i32
    %dma_wait3A_101 = arith.constant 0 : i32
    %dma_wait3A_102 = tpu.memref_slice %arg5[%dma_wait3A_87, %dma_wait3A_99, %dma_wait3A_100, %dma_wait3A_101] : memref<4x4x4x1024xf32, #tpu.memory_space<vmem>> -> memref<1x4x4x1024xf32, #tpu.memory_space<vmem>>
    %dma_wait3A_103 = tpu.memref_squeeze %dma_wait3A_102 : memref<1x4x4x1024xf32, #tpu.memory_space<vmem>> -> memref<4x4x1024xf32, #tpu.memory_space<vmem>>
    tpu.wait_dma2 semaphore(%arg12 : memref<!tpu.dma_semaphore, #tpu.memory_space<semaphore_mem>>) src(%dma_wait3A_103 : memref<4x4x1024xf32, #tpu.memory_space<vmem>>) dst(%dma_wait3A_98 : memref<4x4x1024xf32, #tpu.memory_space<hbm>>)
    %dma_wait3A_104 = arith.constant 2 : i32
    %dma_wait3A_105 = arith.constant 0 : i32
    %dma_wait3A_106 = arith.constant 0 : i32
    %dma_wait3A_107 = arith.constant 0 : i32
    %dma_wait3A_108 = tpu.memref_slice %arg5[%dma_wait3A_104, %dma_wait3A_105, %dma_wait3A_106, %dma_wait3A_107] : memref<4x4x4x1024xf32, #tpu.memory_space<vmem>> -> memref<1x4x4x1024xf32, #tpu.memory_space<vmem>>
    %dma_wait3A_109 = tpu.memref_squeeze %dma_wait3A_108 : memref<1x4x4x1024xf32, #tpu.memory_space<vmem>> -> memref<4x4x1024xf32, #tpu.memory_space<vmem>>
    %dma_wait3A_110 = arith.constant 0 : i32
    %dma_wait3A_111 = arith.constant 0 : i32
    %dma_wait3A_112 = tpu.memref_slice %arg4[%dma_wait3A_110, %mul3A_2, %dma_wait3A_111] : memref<4x4096x1024xf32, #tpu.memory_space<hbm>> -> memref<4x4x1024xf32, #tpu.memory_space<hbm>>
    %dma_wait3A_113 = arith.constant 0 : i32
    %dma_wait3A_114 = arith.constant 0 : i32
    %dma_wait3A_115 = tpu.memref_slice %arg4[%dma_wait3A_113, %mul3A_2, %dma_wait3A_114] : memref<4x4096x1024xf32, #tpu.memory_space<hbm>> -> memref<4x4x1024xf32, #tpu.memory_space<hbm>>
    %dma_wait3A_116 = arith.constant 0 : i32
    %dma_wait3A_117 = arith.constant 0 : i32
    %dma_wait3A_118 = arith.constant 0 : i32
    %dma_wait3A_119 = tpu.memref_slice %arg5[%dma_wait3A_104, %dma_wait3A_116, %dma_wait3A_117, %dma_wait3A_118] : memref<4x4x4x1024xf32, #tpu.memory_space<vmem>> -> memref<1x4x4x1024xf32, #tpu.memory_space<vmem>>
    %dma_wait3A_120 = tpu.memref_squeeze %dma_wait3A_119 : memref<1x4x4x1024xf32, #tpu.memory_space<vmem>> -> memref<4x4x1024xf32, #tpu.memory_space<vmem>>
    tpu.wait_dma2 semaphore(%arg13 : memref<!tpu.dma_semaphore, #tpu.memory_space<semaphore_mem>>) src(%dma_wait3A_120 : memref<4x4x1024xf32, #tpu.memory_space<vmem>>) dst(%dma_wait3A_115 : memref<4x4x1024xf32, #tpu.memory_space<hbm>>)
    %dma_wait3A_121 = arith.constant 3 : i32
    %dma_wait3A_122 = arith.constant 0 : i32
    %dma_wait3A_123 = arith.constant 0 : i32
    %dma_wait3A_124 = arith.constant 0 : i32
    %dma_wait3A_125 = tpu.memref_slice %arg5[%dma_wait3A_121, %dma_wait3A_122, %dma_wait3A_123, %dma_wait3A_124] : memref<4x4x4x1024xf32, #tpu.memory_space<vmem>> -> memref<1x4x4x1024xf32, #tpu.memory_space<vmem>>
    %dma_wait3A_126 = tpu.memref_squeeze %dma_wait3A_125 : memref<1x4x4x1024xf32, #tpu.memory_space<vmem>> -> memref<4x4x1024xf32, #tpu.memory_space<vmem>>
    %dma_wait3A_127 = arith.constant 0 : i32
    %dma_wait3A_128 = arith.constant 0 : i32
    %dma_wait3A_129 = tpu.memref_slice %arg4[%dma_wait3A_127, %mul3A_2, %dma_wait3A_128] : memref<4x4096x1024xf32, #tpu.memory_space<hbm>> -> memref<4x4x1024xf32, #tpu.memory_space<hbm>>
    %dma_wait3A_130 = arith.constant 0 : i32
    %dma_wait3A_131 = arith.constant 0 : i32
    %dma_wait3A_132 = tpu.memref_slice %arg4[%dma_wait3A_130, %mul3A_2, %dma_wait3A_131] : memref<4x4096x1024xf32, #tpu.memory_space<hbm>> -> memref<4x4x1024xf32, #tpu.memory_space<hbm>>
    %dma_wait3A_133 = arith.constant 0 : i32
    %dma_wait3A_134 = arith.constant 0 : i32
    %dma_wait3A_135 = arith.constant 0 : i32
    %dma_wait3A_136 = tpu.memref_slice %arg5[%dma_wait3A_121, %dma_wait3A_133, %dma_wait3A_134, %dma_wait3A_135] : memref<4x4x4x1024xf32, #tpu.memory_space<vmem>> -> memref<1x4x4x1024xf32, #tpu.memory_space<vmem>>
    %dma_wait3A_137 = tpu.memref_squeeze %dma_wait3A_136 : memref<1x4x4x1024xf32, #tpu.memory_space<vmem>> -> memref<4x4x1024xf32, #tpu.memory_space<vmem>>
    tpu.wait_dma2 semaphore(%arg14 : memref<!tpu.dma_semaphore, #tpu.memory_space<semaphore_mem>>) src(%dma_wait3A_137 : memref<4x4x1024xf32, #tpu.memory_space<vmem>>) dst(%dma_wait3A_132 : memref<4x4x1024xf32, #tpu.memory_space<hbm>>)
    return
  }
}

</mosaic_0001>

<sc_bundles>
// kernel: kernel.3.cloned.1.call-start
scs
__scs_entry_jumppad:
0x0: {  	(pc) =	sbr.rel $0x88, $3  }
0x1: {  	(tag) =	ssettag $0x0;
	lr =	simm.s32 $0x1  }
0x2: {  	[smem:$0x3F9F] =	sst lr;
	_ =	strace $0xD0000000  }
0x3: {  	_ = 	snop  }
0x4: {  	_ = 	snop  }
0x5: {  	_ = 	snop  }
0x6: {  	_ = 	snop  }
0x7: {  	_ = 	snop  }
__scs_overlays_trampoline_lowered:
0x8: {  	[smem:$0x3FAE] =	sst s0  }
0x9: {  	[smem:$0x3FAF] =	sst s1  }
0xa: {  	[smem:$0x3FB0] =	sst s2  }
0xb: {  	[smem:$0x3FB1] =	sst s3  }
0xc: {  	[smem:$0x3FB2] =	sst s4  }
0xd: {  	[smem:$0x3FB3] =	sst s5  }
0xe: {  	[smem:$0x3FB4] =	sst s6  }
0xf: {  	[smem:$0x3FB5] =	sst s7  }
0x10: {  	[smem:$0x3FB6] =	sst s8  }
0x11: {  	[smem:$0x3FB7] =	sst s9;
	s0 =	simm.s32 @!p0 $0x0  }
0x12: {  	s1 =	sld [smem:$0x3F9D];
	s0 =	simm.s32 @p0 $0x1  }
0x13: {  	[smem:$0x3FB8] =	sst s0;
	s0 =	simm.s32 @!p1 $0x0  }
0x14: {  	s2 =	sld [smem:$0x3F9C];
	s0 =	simm.s32 @p1 $0x1  }
0x15: {  	[smem:$0x3FB9] =	sst s0;
	s0 =	simm.s32 @!p2 $0x0  }
0x16: {  	s3 =	sld [smem:$0x3FDB];
	s0 =	simm.s32 @p2 $0x1  }
0x17: {  	s4 =	simm.s32 $0x1BF5;
	[smem:$0x3FBB] =	sst s0  }
0x18: {  	s0 =	sld [smem:$0x3F9E];
	_ =	swait.ge [sflag:s4], $0x0  }
0x19: {  	s7 =	sld [smem:$0x3F9F]  }
0x1a: {  	s8 =	sadd.s32 $0xFFFFE003, lr  }
0x1b: {  	s9 =	sadd.s32 $0xFFFFFEF7, lr;
	s5 =	simm.s32 $0xFFFFFFFF;
	p2 =	slt.u32 s8, $0xFFFFF086  }
0x1c: {  	p1 =	slt.u32 s9, $0xF7A;
	s5 =	simm.s32 @!p2 $0x0  }
0x1d: {  	s5 =	simm.s32 @p1 $0x1;
	p0 =	seq.s32 s7, s2  }
0x1e: {  	s7 =	smul.u32 @!p0 $0xF7A, s2;
	p2 =	seq.s32 @!p0 s5, $0x0  }
0x1f: {  	s9 =	smul.u32 $0xF7A, s1;
	s8 =	simm.s32 @!p0 $0x1BF5;
	p2 =	por !p2, p0  }
0x20: {  	[sflag:s8] =	ssyncset.s32 @!p0 $0xFFFFF086;
	s6 =	sadd.s32 @!p0 s3, s7;
	s7 =	simm.s32 @!p0 $0x108  }
0x21: {  	s3 =	sadd.s32 s3, s9;
	s6 =	sadd.s32 @!p0 $0x88, s6;
	s7 =	simm.s32 @p2 $0x1082  }
0x22: {  	[simem:s7], [sflag:s8] =	dma.local @!p0 [hbm:s6], $0xF7A  }
0x23: {  	s9 =	sor.u32 $0xD0000000, s2;
	s6 =	simm.s32 $0x108;
	_ =	swait.ge @!p0 [sflag:s8], $0x0  }
0x24: {  	s3 =	sadd.s32 $0x88, s3;
	s6 =	simm.s32 @!p1 $0x1082;
	[sflag:s4] =	ssyncset.s32 $0xFFFFF086  }
0x25: {  	[simem:s6], [sflag:s4] =	dma.local [hbm:s3], $0xF7A  }
0x26: {  	[smem:$0x3F9F] =	sst s1;
	(tag) =	ssettag s2;
	_ =	strace s9  }
0x27: {  	s1 =	sld [smem:$0x3FAF]  }
0x28: {  	s2 =	sld [smem:$0x3FB0]  }
0x29: {  	s4 =	sld [smem:$0x3FB2]  }
0x2a: {  	p0 =	seq.s32 s5, $0x0;
	s5 =	sld [smem:$0x3FB3]  }
0x2b: {  	s6 =	sld [smem:$0x3FB4]  }
0x2c: {  	s7 =	sld [smem:$0x3FB5]  }
0x2d: {  	s3 =	simm.s32 $0x108;
	s8 =	sld [smem:$0x3FB6]  }
0x2e: {  	s3 =	simm.s32 @!p0 $0x1082;
	s9 =	sld [smem:$0x3FB7]  }
0x2f: {  	lr =	sadd.s32 s0, s3;
	s0 =	sld [smem:$0x3FAE]  }
0x30: {  	s3 =	sld [smem:$0x3FB1]  }
0x31: {  	[smem:$0x3FBA] =	sst s10  }
0x32: {  	s10 =	sld [smem:$0x3FB8];
	_ =	sdelay $0x3  }
0x33: {  	p0 =	seq.s32 s10, $0x1;
	s10 =	sld [smem:$0x3FBA];
	_ =	sdelay $0x3  }
0x34: {  	[smem:$0x3FBA] =	sst s10  }
0x35: {  	s10 =	sld [smem:$0x3FB9];
	_ =	sdelay $0x3  }
0x36: {  	p1 =	seq.s32 s10, $0x1;
	s10 =	sld [smem:$0x3FBA];
	_ =	sdelay $0x3  }
0x37: {  	[smem:$0x3FBA] =	sst s10  }
0x38: {  	s10 =	sld [smem:$0x3FBB]  }
0x39: {  	_ = 	snop;
	(pc) =	sbr.ind lr, $3  }
0x3a: {  	_ = 	snop  }
0x3b: {  	_ = 	snop  }
0x3c: {  	p2 =	seq.s32 s10, $0x1;
	s10 =	sld [smem:$0x3FBA]  }
0x3d: {  	_ =	shalt  }
0x3e: {  	_ =	shalt  }
0x3f: {  	_ =	shalt  }
0x40: {  	_ =	shalt  }
0x41: {  	_ =	shalt  }
0x42: {  	_ =	shalt  }
0x43: {  	_ =	shalt  }
0x44: {  	_ =	shalt  }
0x45: {  	_ =	shalt  }
0x46: {  	_ =	shalt  }
0x47: {  	_ =	shalt  }
0x48: {  	_ =	shalt  }
0x49: {  	_ =	shalt  }
0x4a: {  	_ =	shalt  }
0x4b: {  	_ =	shalt  }
0x4c: {  	_ =	shalt  }
0x4d: {  	_ =	shalt  }
0x4e: {  	_ =	shalt  }
0x4f: {  	_ =	shalt  }
0x50: {  	_ =	shalt  }
0x51: {  	_ =	shalt  }
0x52: {  	_ =	shalt  }
0x53: {  	_ =	shalt  }
0x54: {  	_ =	shalt  }
0x55: {  	_ =	shalt  }
0x56: {  	_ =	shalt  }
0x57: {  	_ =	shalt  }
0x58: {  	_ =	shalt  }
0x59: {  	_ =	shalt  }
0x5a: {  	_ =	shalt  }
0x5b: {  	_ =	shalt  }
0x5c: {  	_ =	shalt  }
0x5d: {  	_ =	shalt  }
0x5e: {  	_ =	shalt  }
0x5f: {  	_ =	shalt  }
0x60: {  	_ =	shalt  }
0x61: {  	_ =	shalt  }
0x62: {  	_ =	shalt  }
0x63: {  	_ =	shalt  }
0x64: {  	_ =	shalt  }
0x65: {  	_ =	shalt  }
0x66: {  	_ =	shalt  }
0x67: {  	_ =	shalt  }
0x68: {  	_ =	shalt  }
0x69: {  	_ =	shalt  }
0x6a: {  	_ =	shalt  }
0x6b: {  	_ =	shalt  }
0x6c: {  	_ =	shalt  }
0x6d: {  	_ =	shalt  }
0x6e: {  	_ =	shalt  }
0x6f: {  	_ =	shalt  }
0x70: {  	_ =	shalt  }
0x71: {  	_ =	shalt  }
0x72: {  	_ =	shalt  }
0x73: {  	_ =	shalt  }
0x74: {  	_ =	shalt  }
0x75: {  	_ =	shalt  }
0x76: {  	_ =	shalt  }
0x77: {  	_ =	shalt  }
0x78: {  	_ =	shalt  }
0x79: {  	_ =	shalt  }
0x7a: {  	_ =	shalt  }
0x7b: {  	_ =	shalt  }
0x7c: {  	_ =	shalt  }
0x7d: {  	_ =	shalt  }
0x7e: {  	_ =	shalt  }
0x7f: {  	_ =	shalt  }
0x80: {  	_ =	shalt  }
0x81: {  	_ =	shalt  }
0x82: {  	_ =	shalt  }
0x83: {  	_ =	shalt  }
0x84: {  	_ =	shalt  }
0x85: {  	_ =	shalt  }
0x86: {  	_ =	shalt  }
0x87: {  	_ =	shalt  }
.Lfunc_end0:
.L_simem_size_0:
called_computation_lowered:
.L_overlay_start_0:
0x88: {  	s2 =	sld [smem:$0x3FD9]  }
0x89: {  	s3 =	sld [smem:$0x3FFE];
	_ =	sdelay $0x1  }
0x8a: {  	s1 =	srdreg.scid  }
0x8b: {  	s0 =	sand.u32 $0x1, s1  }
0x8c: {  	s18 =	sshll.u32 s0, $0xA;
	s2 =	sadd.s32 s3, s2  }
0x8d: {  	s2 =	sadd.s32 s2, s18  }
0x8e: {  	[smem:$0x3FC6] =	sst s2  }
0x8f: {  	_ = 	snop  }
0x90: {  	s2 =	sld [smem:$0x3FC9]  }
0x91: {  	s19 =	sld [smem:$0x3FC8]  }
0x92: {  	s4 =	sld [smem:$0x3FD0];
	(tm) =	ssettm $0x1  }
0x93: {  	s5 =	sld [smem:$0x3FFB];
	_ =	sdelay $0x3  }
0x94: {  	_ =	strace s5  }
0x95: {  	s5 =	sld [smem:$0x3FFC];
	_ =	sdelay $0x3  }
0x96: {  	_ =	strace s5  }
0x97: {  	s5 =	sld [smem:$0x3FFD];
	_ =	sdelay $0x3  }
0x98: {  	_ =	strace s5  }
0x99: {  	_ =	strace $0x8FFFFFFF  }
0x9a: {  	s20 =	sld [smem:$0x3FDB];
	_ =	sdelay $0x1  }
0x9b: {  	s6 =	simm.s32 $_scs_section_size  }
0x9c: {  	s7 =	simm.s32 $_size__tile_overlayer_lowered;
	s8 =	simm.s32 $_tile_overlayer_lowered  }
0x9d: {  	s23 =	simm.s32 $0x1BFF;
	s22 =	sshll.u32 s8, $0x1;
	s5 =	sadd.s32 s6, s20  }
0x9e: {  	s9 =	simm.s32 $0x0;
	s21 =	sshll.u32 s7, $0x1;
	s7 =	sadd.s32 s22, s5  }
0x9f: {  	[timem:s9], [sflag:s23] =	dma.local [hbm:s7], s21  }
0xa0: {  	_ =	swait.ge [sflag:s23], s21  }
0xa1: {  	s6 =	ssub.s32 $0x0, s21;
	[sflag:s23] =	ssyncset.done $0x0  }
0xa2: {  	[sflag:s23] =	ssyncadd.s32 s6;
	_ =	sdelay $0x1  }
0xa3: {  	s24 =	simm.s32 $0x1B8B  }
0xa4: {  	_ =	swait.ge [sflag:s24], $0x1  }
0xa5: {  	[sflag:s24] =	ssyncset.done $0x0  }
0xa6: {  	s25 =	simm.s32 $0x1B8E;
	[sflag:s24] =	ssyncadd.s32 $0xFFFFFFFF  }
0xa7: {  	s26 =	simm.s32 $execute0_lowered;
	[smem:$0x3FD2] =	sst s25  }
0xa8: {  	s6 =	sshll.u32 s26, $0x1;
	_ =	strace $0x80000046;
	[dreg:$0x1] =	wrdreg $0xFFFFFFFF  }
0xa9: {  	s28 =	simm.s32 $_size_execute0_lowered;
	s5 =	sadd.s32 s5, s6;
	[dreg:$0x0] =	wrdreg $0x0  }
0xaa: {  	s6 =	sshll.u32 s28, $0x1;
	[dreg:$0x2] =	wrdreg s5  }
0xab: {  	[dreg:$0x3] =	wrdreg s6  }
0xac: {  	[dreg:$0x4] =	wrdreg $0xC0  }
0xad: {  	_ =	task [dreg:s9], $0x5FFFF  }
0xae: {  	[dreg:$0x1] =	wrdreg $0xFFFFFFFF  }
0xaf: {  	[dreg:$0x0] =	wrdreg $0x60  }
0xb0: {  	[dreg:$0x2] =	wrdreg s2  }
0xb1: {  	[dreg:$0x3] =	wrdreg s19  }
0xb2: {  	[dreg:$0x4] =	wrdreg s4  }
0xb3: {  	[dreg:$0x5] =	wrdreg $0x9  }
0xb4: {  	_ =	task.clear_ibuf [dreg:s9], $0x6FFFF;
	_ =	strace $0x90000046  }
0xb5: {  	s29 =	simm.s32 $0x9;
	_ =	strace $0x80000048  }
0xb6: {  	_ =	swait.ge [sflag:s29], $0x1  }
0xb7: {  	[sflag:s29] =	ssyncadd.s32 $0xFFFFFFFF  }
0xb8: {  	_ =	strace $0x90000048  }
0xb9: {  	_ =	sfence  }
0xba: {  	s30 =	sld [smem:$0x0];
	_ =	sdelay $0x2  }
0xbb: {  	s31 =	sshll.u32 s1, $0xD;
	s1 =	sshrl.u32 s1, $0x2  }
0xbc: {  	s3 =	sand.u32 $0x4000, s31;
	s1 =	sadd.s32 s1, s30  }
0xbd: {  	s0 =	sor.u32 s3, s0;
	s1 =	sshll.u32 s1, $0x11  }
0xbe: {  	s0 =	sor.u32 s1, s0  }
0xbf: {  	s0 =	sadd.s32 $0x8F2B, s0  }
0xc0: {  	[sflag:s0] =	ssyncadd.remote.s32 $0x1  }
0xc1: {  	_ =	sfence.sel $0xFFFF  }
0xc2: {  	[dreg:$0x0] =	wrdreg $0xFFFFFFFF;
	(pc) =	sbr.abs _section_cstart, $3  }
0xc3: {  	[dreg:$0x1] =	wrdreg $0xFFFFFFFF  }
0xc4: {  	_ =	task.clear_ibuf [dreg:s9], $0x2FFFF;
	_ =	strace $0x9FFFFFFF  }
0xc5: {  	(tm) =	ssettm $0x7FFFFFFF  }
tec
execute0_lowered:
.L_overlay_start_1:
0x0: {  	(tag) =	ssettag $0x1  }
0x1: {  	s2 =	rddreg [dreg:$0x0]  }
0x2: {  	s31 =	rddreg [dreg:$0x1]  }
0x3: {  	s5 =	rddreg [dreg:$0x2]  }
0x4: {  	s1 =	simm.s32 $0x0;
	s0 =	srdreg.scid;
	s3 =	stileid.u32  }
0x5: {  	[smem:$0x7FF] =	sst s1;
	s0 =	sand.u32 $0x1, s0;
	s3 =	sshll.u32 s3, $0xF  }
0x6: {  	s20 =	sadd.s32 $0x40, s5;
	s13 =	ssub.s32 $0x2, s0;
	s0 =	sshll.u32 s0, $0xE  }
0x7: {  	_ =	strace $0x80000047;
	[dreg:$0xc] =	wrdreg s20;
	s3 =	sor.u32 s0, s3  }
0x8: {  	s6 =	sadd.s32 s31, s3;
	[dreg:$0x5] =	wrdreg s3  }
0x9: {  	s18 =	sor.u32 $0x400, s3;
	[dreg:$0x7] =	wrdreg s6  }
0xa: {  	s19 =	sor.u32 $0x440, s3;
	[dreg:$0xa] =	wrdreg s18  }
0xb: {  	s21 =	sor.u32 $0x800, s3;
	[dreg:$0xb] =	wrdreg s19  }
0xc: {  	s4 =	sshrl.u32 s13, $0x1;
	s22 =	sor.u32 $0x840, s3;
	[dreg:$0xd] =	wrdreg s21  }
0xd: {  	s15 =	sadd.s32 s2, s3;
	s16 =	sor.u32 $0x40, s3;
	[dreg:$0xe] =	wrdreg s22  }
0xe: {  	s14 =	ssub.s32 s13, s4;
	s1 =	sadd.s32 s31, s16;
	[dreg:$0x6] =	wrdreg s15  }
0xf: {  	s0 =	smax.u32 s14, $0x1;
	[dreg:$0x9] =	wrdreg s1  }
0x10: {  	s23 =	sadd.s32 $0x80000, s15;
	[dreg:$0xf] =	wrdreg s0  }
0x11: {  	s24 =	sadd.s32 $0x100000, s15;
	[dreg:$0x10] =	wrdreg s23  }
0x12: {  	s25 =	sadd.s32 $0x180000, s15;
	[dreg:$0x11] =	wrdreg s24  }
0x13: {  	s17 =	sadd.s32 s2, s16;
	[dreg:$0x12] =	wrdreg s25  }
0x14: {  	s26 =	sadd.s32 $0x80000, s17;
	[dreg:$0x8] =	wrdreg s17  }
0x15: {  	s28 =	sadd.s32 $0x100000, s17;
	[dreg:$0x13] =	wrdreg s26  }
0x16: {  	s30 =	simm.s32 $0x200;
	s29 =	sadd.s32 $0x180000, s17;
	[dreg:$0x14] =	wrdreg s28  }
0x17: {  	s3 =	simm.s32 $0x400;
	s4 =	simm.s32 $0x0;
	[dreg:$0x15] =	wrdreg s29  }
.LBB2_1:
0x18: {  	[dreg:$0x16] =	wrdreg s4  }
0x19: {  	s0 =	simm.s32 $0x0;
	s1 =	rddreg [dreg:$0x6]  }
0x1a: {  	[tilespmem:s0], [sflag:$0x1] =	stream.strided.gather [hbm4b:s1+s30], $0x1000, s3, s30, $0x38;
	[tilespmem:$0x14000] =	vst v63  }
0x1b: {  	s11 =	rddreg [dreg:$0x10];
	s12 =	simm.s32 $0x1000  }
0x1c: {  	[tilespmem:s12], [sflag:$0x1] =	stream.strided.gather [hbm4b:s11+s30], $0x1000, s3, s30, $0x38;
	[tilespmem:$0x14000] =	vst v63  }
0x1d: {  	s13 =	rddreg [dreg:$0x11];
	s14 =	simm.s32 $0x2000  }
0x1e: {  	[tilespmem:s14], [sflag:$0x1] =	stream.strided.gather [hbm4b:s13+s30], $0x1000, s3, s30, $0x38;
	[tilespmem:$0x14000] =	vst v63  }
0x1f: {  	s15 =	rddreg [dreg:$0x12];
	s16 =	simm.s32 $0x3000  }
0x20: {  	[tilespmem:s16], [sflag:$0x1] =	stream.strided.gather [hbm4b:s15+s30], $0x1000, s3, s30, $0x38;
	[tilespmem:$0x14000] =	vst v63  }
0x21: {  	s17 =	rddreg [dreg:$0x7];
	s18 =	simm.s32 $0x10000  }
0x22: {  	[tilespmem:s18], [sflag:$0x1] =	stream.strided.gather [hbm4b:s17+s30], $0x1000, s3, s30, $0x38;
	[tilespmem:$0x14000] =	vst v63  }
0x23: {  	s19 =	rddreg [dreg:$0x8];
	s20 =	simm.s32 $0x4000  }
0x24: {  	[tilespmem:s20], [sflag:$0x2] =	stream.strided.gather [hbm4b:s19+s30], $0x1000, s3, s30, $0x38;
	[tilespmem:$0x14000] =	vst v63  }
0x25: {  	s21 =	rddreg [dreg:$0x13];
	s22 =	simm.s32 $0x5000  }
0x26: {  	[tilespmem:s22], [sflag:$0x2] =	stream.strided.gather [hbm4b:s21+s30], $0x1000, s3, s30, $0x38;
	[tilespmem:$0x14000] =	vst v63  }
0x27: {  	s23 =	rddreg [dreg:$0x14];
	s24 =	simm.s32 $0x6000  }
0x28: {  	[tilespmem:s24], [sflag:$0x2] =	stream.strided.gather [hbm4b:s23+s30], $0x1000, s3, s30, $0x38;
	[tilespmem:$0x14000] =	vst v63  }
0x29: {  	s25 =	rddreg [dreg:$0x15];
	s26 =	simm.s32 $0x7000  }
0x2a: {  	[tilespmem:s26], [sflag:$0x2] =	stream.strided.gather [hbm4b:s25+s30], $0x1000, s3, s30, $0x38;
	[tilespmem:$0x14000] =	vst v63  }
0x2b: {  	s28 =	rddreg [dreg:$0x9];
	s29 =	simm.s32 $0x11000;
	s1 =	simm.s32 $0x0  }
0x2c: {  	[tilespmem:s29], [sflag:$0x2] =	stream.strided.gather [hbm4b:s28+s30], $0x1000, s3, s30, $0x38;
	[tilespmem:$0x14000] =	vst v63  }
.LBB2_2:
0x2d: {  	p0 =	seq.s32 s1, $0x0  }
0x2e: {  	[dreg:$0x17] =	wrdreg s1;
	s0 =	simm.s32 @!p0 $0x7  }
0x2f: {  	_ =	swait.ge @!p0 [sflag:s0], $0x4000  }
0x30: {  	s4 =	sshll.u32 s1, $0xB;
	s14 =	rddreg [dreg:$0xa]  }
0x31: {  	[dreg:$0x18] =	wrdreg s4;
	[sflag:s0] =	ssyncset.done @!p0 $0x0;
	s4 =	sadd.s32 s14, s4  }
0x32: {  	s16 =	simm.s32 $0x8000;
	[sflag:s0] =	ssyncadd.s32 @!p0 $0xFFFFC000;
	s15 =	sadd.s32 s2, s4  }
0x33: {  	[tilespmem:s16], [sflag:$0x3] =	stream.strided.gather [hbm4b:s15+s30], $0x1000, s3, s30, $0x38;
	[tilespmem:$0x14000] =	vst v63  }
0x34: {  	s18 =	simm.s32 $0x9000;
	s17 =	sadd.s32 $0x80000, s15  }
0x35: {  	[tilespmem:s18], [sflag:$0x3] =	stream.strided.gather [hbm4b:s17+s30], $0x1000, s3, s30, $0x38;
	[tilespmem:$0x14000] =	vst v63  }
0x36: {  	s20 =	simm.s32 $0xA000;
	s19 =	sadd.s32 $0x100000, s15  }
0x37: {  	[tilespmem:s20], [sflag:$0x3] =	stream.strided.gather [hbm4b:s19+s30], $0x1000, s3, s30, $0x38;
	[tilespmem:$0x14000] =	vst v63  }
0x38: {  	s21 =	simm.s32 $0xB000;
	s23 =	simm.s32 $0x12000;
	s0 =	sadd.s32 $0x180000, s15  }
0x39: {  	[tilespmem:s21], [sflag:$0x3] =	stream.strided.gather [hbm4b:s0+s30], $0x1000, s3, s30, $0x38;
	[tilespmem:$0x14000] =	vst v63  }
0x3a: {  	s24 =	simm.s32 $0x1;
	[dreg:$0x19] =	wrdreg s4;
	s22 =	sadd.s32 s31, s4  }
0x3b: {  	[tilespmem:s23], [sflag:$0x3] =	stream.strided.gather [hbm4b:s22+s30], $0x1000, s3, s30, $0x38;
	[tilespmem:$0x14000] =	vst v63  }
0x3c: {  	_ =	swait.ge [sflag:s24], $0x4000  }
0x3d: {  	s30 =	simm.s32 $0x0;
	[sflag:s24] =	ssyncset.done $0x0  }
0x3e: {  	s25 =	sand.u32 $0x40, s30;
	[sflag:s24] =	ssyncadd.s32 $0xFFFFC000  }
0x3f: {  	s26 =	sand.u32 $0xE00, s30;
	s28 =	sand.u32 $0x180, s30;
	_ =	swait.ge [sflag:s24], $0x1000  }
0x40: {  	s3 =	sor.u32 s28, s26;
	s13 =	sor.u32 $0x30, s25;
	[sflag:s24] =	ssyncset.done $0x0  }
0x41: {  	s11 =	sor.u32 $0x3000, s3;
	s7 =	sor.u32 s13, s3;
	[sflag:s24] =	ssyncadd.s32 $0xFFFFF000  }
0x42: {  	s15 =	sor.u32 $0x1000, s3;
	s16 =	sor.u32 s13, s11;
	v0 =	vld [tilespmem:s7+$0x10000]  }
0x43: {  	s19 =	sor.u32 $0x2000, s3;
	s6 =	sor.u32 s25, s15;
	v5 =	vld [tilespmem:s16+$0x0]  }
0x44: {  	s31 =	sor.u32 s25, s19;
	v1 =	vld [tilespmem:s6+$0x0]  }
0x45: {  	s20 =	sor.u32 $0x10, s25;
	s0 =	sor.u32 s25, s11;
	v2 =	vld [tilespmem:s31+$0x0]  }
0x46: {  	s10 =	sor.u32 s20, s15;
	v3 =	vld [tilespmem:s0+$0x0]  }
0x47: {  	s26 =	sor.u32 s20, s19;
	v4 =	vld [tilespmem:s10+$0x0]  }
0x48: {  	s29 =	sor.u32 $0x20, s25;
	s14 =	sor.u32 s20, s11;
	v9 =	vld [tilespmem:s26+$0x0]  }
0x49: {  	s12 =	sor.u32 s29, s15;
	v7 =	vld [tilespmem:s14+$0x0]  }
0x4a: {  	s4 =	sor.u32 s29, s19;
	v6 =	vld [tilespmem:s12+$0x0]  }
0x4b: {  	s22 =	sor.u32 s13, s15;
	s21 =	sor.u32 s13, s19;
	s13 =	sor.u32 s25, s3;
	v8 =	vld [tilespmem:s4+$0x0]  }
0x4c: {  	v11 =	vld [tilespmem:s13+$0x10000];
	v5 =	vadd.f32 v5, v0  }
0x4d: {  	s15 =	sor.u32 s20, s3;
	v12 =	vld [tilespmem:s13+$0x0]  }
0x4e: {  	v10 =	vld [tilespmem:s15+$0x10000];
	[tilespmem:s16+$0x0] =	vst v5  }
0x4f: {  	v14 =	vld [tilespmem:s22+$0x0]  }
0x50: {  	s11 =	sor.u32 s29, s11;
	s29 =	sor.u32 s29, s3;
	v13 =	vld [tilespmem:s21+$0x0]  }
0x51: {  	s19 =	simm.s32 $0x40;
	s20 =	simm.s32 $0x0;
	v5 =	vld [tilespmem:s11+$0x0];
	s16 =	simm.s32 $0x0  }
.LBB2_3:
0x52: {  	_ = 	snop  }
0x53: {  	s30 =	sadd.s32 $0x100, s30;
	s20 =	sadd.s32 $0x8, s20  }
0x54: {  	v15 =	vld [tilespmem:s15+$0x0];
	s3 =	sand.u32 $0xE00, s30;
	s2 =	sand.u32 $0x180, s20  }
0x55: {  	s1 =	sand.u32 $0x40, s19;
	v16 =	vld [tilespmem:s29+$0x10000];
	s2 =	sor.u32 s2, s3;
	v14 =	vadd.f32 v14, v0;
	v13 =	vadd.f32 v13, v0  }
0x56: {  	v17 =	vld [tilespmem:s29+$0x0];
	s18 =	sor.u32 $0x30, s1;
	s9 =	sor.u32 $0x3000, s2;
	v1 =	vadd.f32 v1, v11;
	v2 =	vadd.f32 v2, v11  }
0x57: {  	v12 =	vadd.f32 v12, v11;
	v3 =	vadd.f32 v3, v11;
	v11 =	vld [tilespmem:s7+$0x0];
	s17 =	sor.u32 s18, s9;
	[tilespmem:s22+$0x0] =	vst v14  }
0x58: {  	s5 =	sor.u32 $0x10, s1;
	s3 =	sor.u32 s18, s2;
	v7 =	vadd.f32 v7, v10;
	[tilespmem:s21+$0x0] =	vst v13;
	v14 =	vld [tilespmem:s17+$0x0]  }
0x59: {  	s23 =	sor.u32 s5, s9;
	[tilespmem:s0+$0x0] =	vst v3;
	s0 =	sor.u32 s1, s9;
	v13 =	vld [tilespmem:s3+$0x10000]  }
0x5a: {  	s22 =	sor.u32 $0x1000, s2;
	[tilespmem:s14+$0x0] =	vst v7;
	s14 =	smov.u32 s23;
	v3 =	vld [tilespmem:s0+$0x0]  }
0x5b: {  	v4 =	vadd.f32 v4, v10;
	s21 =	sor.u32 $0x2000, s2;
	[tilespmem:s6+$0x0] =	vst v1;
	s6 =	sor.u32 s1, s22;
	v7 =	vld [tilespmem:s14+$0x0]  }
0x5c: {  	v9 =	vadd.f32 v9, v10;
	[tilespmem:s31+$0x0] =	vst v2;
	s31 =	sor.u32 s1, s21;
	v1 =	vld [tilespmem:s6+$0x0]  }
0x5d: {  	s28 =	sor.u32 $0x20, s1;
	v5 =	vadd.f32 v5, v16;
	[tilespmem:s10+$0x0] =	vst v4;
	s25 =	sor.u32 s5, s22;
	v2 =	vld [tilespmem:s31+$0x0]  }
0x5e: {  	[dreg:$0x4] =	wrdreg s7;
	v6 =	vadd.f32 v6, v16;
	s9 =	sor.u32 s28, s9;
	[tilespmem:s26+$0x0] =	vst v9;
	s7 =	sor.u32 s5, s21;
	v4 =	vld [tilespmem:s25+$0x0]  }
0x5f: {  	v8 =	vadd.f32 v8, v16;
	s24 =	sor.u32 s28, s22;
	[tilespmem:s11+$0x0] =	vst v5;
	s11 =	smov.u32 s9;
	v9 =	vld [tilespmem:s7+$0x0]  }
0x60: {  	s8 =	sor.u32 s28, s21;
	[tilespmem:s12+$0x0] =	vst v6;
	s12 =	smov.u32 s24;
	v5 =	vld [tilespmem:s11+$0x0]  }
0x61: {  	s16 =	sadd.s32 $0x4, s16;
	v15 =	vadd.f32 v15, v10;
	s1 =	sor.u32 s1, s2;
	[tilespmem:s4+$0x0] =	vst v8;
	s4 =	smov.u32 s8;
	v6 =	vld [tilespmem:s12+$0x0]  }
0x62: {  	p1 =	slt.u32 s16, $0xFC;
	v10 =	vadd.f32 v17, v16;
	[tilespmem:s13+$0x0] =	vst v12;
	s5 =	sor.u32 s5, s2;
	s13 =	smov.u32 s1;
	v8 =	vld [tilespmem:s4+$0x0]  }
.Ltmp0:
0x63: {  	[tilespmem:s15+$0x0] =	vst v15;
	s15 =	smov.u32 s5;
	v12 =	vld [tilespmem:s13+$0x0];
	(pc) =	sbr.rel @p1 .LBB2_3-.Ltmp0, $4  }
0x64: {  	s21 =	sor.u32 s18, s21;
	[tilespmem:s29+$0x0] =	vst v10;
	v63 =	vadd.f32 v11, v0;
	v10 =	vld [tilespmem:s15+$0x10000];
	v0 =	vmov v13  }
0x65: {  	s22 =	sor.u32 s18, s22;
	s2 =	sor.u32 s28, s2;
	s28 =	rddreg [dreg:$0x4];
	v13 =	vld [tilespmem:s21+$0x0];
	v11 =	vadd.f32 v14, v0  }
0x66: {  	s19 =	sadd.s32 $0x40, s19;
	s10 =	smov.u32 s25;
	[tilespmem:s28+$0x0] =	vst v63;
	v14 =	vld [tilespmem:s22+$0x0]  }
0x67: {  	s26 =	smov.u32 s7;
	s29 =	smov.u32 s2;
	s7 =	smov.u32 s3;
	[tilespmem:s17+$0x0] =	vst v11;
	v11 =	vld [tilespmem:s13+$0x10000]  }
0x68: {  	_ =	sdelay $0x2  }
0x69: {  	v14 =	vadd.f32 v14, v0  }
0x6a: {  	v15 =	vld [tilespmem:s29+$0x10000];
	v13 =	vadd.f32 v13, v0  }
0x6b: {  	v1 =	vadd.f32 v1, v11;
	[tilespmem:s22+$0x0] =	vst v14  }
0x6c: {  	v2 =	vadd.f32 v2, v11;
	v14 =	vld [tilespmem:s7+$0x0];
	[tilespmem:s21+$0x0] =	vst v13  }
0x6d: {  	v3 =	vadd.f32 v3, v11;
	[tilespmem:s6+$0x0] =	vst v1  }
0x6e: {  	v1 =	vadd.f32 v4, v10;
	[tilespmem:s31+$0x0] =	vst v2  }
0x6f: {  	v6 =	vadd.f32 v6, v15;
	[tilespmem:s0+$0x0] =	vst v3  }
0x70: {  	v4 =	vadd.f32 v9, v10;
	v2 =	vld [tilespmem:s15+$0x0];
	[tilespmem:s10+$0x0] =	vst v1  }
0x71: {  	v3 =	vadd.f32 v7, v10;
	v1 =	vld [tilespmem:s29+$0x0];
	[tilespmem:s12+$0x0] =	vst v6  }
0x72: {  	[tilespmem:s26+$0x0] =	vst v4;
	v4 =	vadd.f32 v8, v15  }
0x73: {  	[tilespmem:s14+$0x0] =	vst v3;
	v3 =	vadd.f32 v5, v15  }
0x74: {  	v5 =	vadd.f32 v12, v11;
	[tilespmem:s4+$0x0] =	vst v4  }
0x75: {  	v2 =	vadd.f32 v2, v10;
	[tilespmem:s11+$0x0] =	vst v3  }
0x76: {  	[tilespmem:s13+$0x0] =	vst v5;
	v1 =	vadd.f32 v1, v15  }
0x77: {  	[tilespmem:s15+$0x0] =	vst v2  }
0x78: {  	[tilespmem:s29+$0x0] =	vst v1  }
0x79: {  	s0 =	rddreg [dreg:$0x5]  }
0x7a: {  	v0 =	vadd.f32 v14, v0;
	s5 =	rddreg [dreg:$0x18]  }
0x7b: {  	s16 =	rddreg [dreg:$0x2];
	s1 =	simm.s32 $0x0;
	s30 =	sor.u32 s0, s5  }
0x7c: {  	s2 =	simm.s32 $0x200;
	s3 =	simm.s32 $0x400;
	[tilespmem:s7+$0x0] =	vst v0;
	s0 =	sadd.s32 s16, s30  }
0x7d: {  	[hbm4b:s0+s2] =	stream.strided.scatter [tilespmem:s1], [sflag:$0x5], $0x1000, s3, s2, $0x38;
	[tilespmem:$0x14000] =	vst v63  }
0x7e: {  	s18 =	simm.s32 $0x1000;
	s17 =	sadd.s32 $0x80000, s0  }
0x7f: {  	[hbm4b:s17+s2] =	stream.strided.scatter [tilespmem:s18], [sflag:$0x5], $0x1000, s3, s2, $0x38;
	[tilespmem:$0x14000] =	vst v63  }
0x80: {  	s20 =	simm.s32 $0x2000;
	s19 =	sadd.s32 $0x100000, s0  }
0x81: {  	[hbm4b:s19+s2] =	stream.strided.scatter [tilespmem:s20], [sflag:$0x5], $0x1000, s3, s2, $0x38;
	[tilespmem:$0x14000] =	vst v63  }
0x82: {  	s21 =	simm.s32 $0x3000;
	s0 =	sadd.s32 $0x180000, s0  }
0x83: {  	[hbm4b:s0+s2] =	stream.strided.scatter [tilespmem:s21], [sflag:$0x5], $0x1000, s3, s2, $0x38;
	[tilespmem:$0x14000] =	vst v63  }
0x84: {  	s0 =	simm.s32 @!p0 $0x8  }
0x85: {  	_ =	swait.ge @!p0 [sflag:s0], $0x4000  }
0x86: {  	[sflag:s0] =	ssyncset.done @!p0 $0x0  }
0x87: {  	s22 =	rddreg [dreg:$0xb];
	[sflag:s0] =	ssyncadd.s32 @!p0 $0xFFFFC000  }
0x88: {  	s26 =	sadd.s32 s22, s5;
	s29 =	rddreg [dreg:$0x0]  }
0x89: {  	s24 =	simm.s32 $0xC000;
	s23 =	sadd.s32 s29, s26  }
0x8a: {  	[tilespmem:s24], [sflag:$0x4] =	stream.strided.gather [hbm4b:s23+s2], $0x1000, s3, s2, $0x38;
	[tilespmem:$0x14000] =	vst v63  }
0x8b: {  	s28 =	simm.s32 $0xD000;
	s25 =	sadd.s32 $0x80000, s23  }
0x8c: {  	[tilespmem:s28], [sflag:$0x4] =	stream.strided.gather [hbm4b:s25+s2], $0x1000, s3, s2, $0x38;
	[tilespmem:$0x14000] =	vst v63  }
0x8d: {  	s5 =	simm.s32 $0xE000;
	s4 =	sadd.s32 $0x100000, s23  }
0x8e: {  	[tilespmem:s5], [sflag:$0x4] =	stream.strided.gather [hbm4b:s4+s2], $0x1000, s3, s2, $0x38;
	[tilespmem:$0x14000] =	vst v63  }
0x8f: {  	s6 =	simm.s32 $0xF000;
	s7 =	rddreg [dreg:$0x1];
	s0 =	sadd.s32 $0x180000, s23  }
0x90: {  	[tilespmem:s6], [sflag:$0x4] =	stream.strided.gather [hbm4b:s0+s2], $0x1000, s3, s2, $0x38;
	[tilespmem:$0x14000] =	vst v63  }
0x91: {  	s8 =	simm.s32 $0x13000;
	s9 =	simm.s32 $0x2;
	s0 =	sadd.s32 s7, s26  }
0x92: {  	[tilespmem:s8], [sflag:$0x4] =	stream.strided.gather [hbm4b:s0+s2], $0x1000, s3, s2, $0x38;
	[tilespmem:$0x14000] =	vst v63  }
0x93: {  	_ =	swait.ge [sflag:s9], $0x4000  }
0x94: {  	s31 =	simm.s32 $0x0;
	[sflag:s9] =	ssyncset.done $0x0  }
0x95: {  	s10 =	sand.u32 $0xE00, s31;
	s11 =	sand.u32 $0x180, s31;
	[sflag:s9] =	ssyncadd.s32 $0xFFFFC000  }
0x96: {  	s12 =	sand.u32 $0x40, s31;
	s0 =	sor.u32 s11, s10;
	_ =	swait.ge [sflag:s9], $0x1000  }
0x97: {  	s3 =	sor.u32 $0x30, s12;
	s1 =	sor.u32 $0x11000, s0;
	[sflag:s9] =	ssyncset.done $0x0  }
0x98: {  	s14 =	sor.u32 $0x7000, s0;
	s16 =	sor.u32 s3, s1;
	[sflag:s9] =	ssyncadd.s32 $0xFFFFF000  }
0x99: {  	s17 =	sor.u32 s3, s14;
	v0 =	vld [tilespmem:s16+$0x0]  }
0x9a: {  	s18 =	sor.u32 $0x4000, s0;
	s20 =	sor.u32 s12, s1;
	v1 =	vld [tilespmem:s17+$0x0]  }
0x9b: {  	s21 =	sor.u32 s12, s18;
	v3 =	vld [tilespmem:s20+$0x0]  }
0x9c: {  	s23 =	sor.u32 $0x10, s12;
	s24 =	sor.u32 s12, s14;
	v4 =	vld [tilespmem:s21+$0x0]  }
0x9d: {  	s25 =	sor.u32 s23, s1;
	s9 =	sor.u32 $0x5000, s0;
	v7 =	vld [tilespmem:s24+$0x0]  }
0x9e: {  	s0 =	sor.u32 $0x6000, s0;
	s8 =	sor.u32 s12, s9;
	v2 =	vld [tilespmem:s25+$0x0]  }
0x9f: {  	s22 =	sor.u32 s12, s0;
	v5 =	vld [tilespmem:s8+$0x0]  }
0xa0: {  	s28 =	sor.u32 s23, s18;
	v6 =	vld [tilespmem:s22+$0x0]  }
0xa1: {  	v8 =	vld [tilespmem:s28+$0x0]  }
0xa2: {  	v1 =	vadd.f32 v1, v0  }
0xa3: {  	s20 =	sor.u32 s23, s9;
	v4 =	vadd.f32 v4, v3  }
0xa4: {  	s19 =	sor.u32 s23, s0;
	v9 =	vld [tilespmem:s20+$0x0];
	[tilespmem:s17+$0x0] =	vst v1  }
0xa5: {  	s2 =	sor.u32 $0x20, s12;
	s16 =	sor.u32 s23, s14;
	v10 =	vld [tilespmem:s19+$0x0];
	v1 =	vadd.f32 v5, v3;
	[tilespmem:s21+$0x0] =	vst v4;
	v4 =	vadd.f32 v6, v3  }
0xa6: {  	s15 =	sor.u32 s2, s18;
	v5 =	vld [tilespmem:s16+$0x0];
	v3 =	vadd.f32 v7, v3;
	v7 =	vadd.f32 v8, v2  }
0xa7: {  	s1 =	sor.u32 s2, s1;
	v6 =	vld [tilespmem:s15+$0x0];
	[tilespmem:s8+$0x0] =	vst v1  }
0xa8: {  	s6 =	simm.s32 $0x0;
	s10 =	sor.u32 s2, s14;
	s11 =	sor.u32 s2, s9;
	v1 =	vld [tilespmem:s1+$0x0];
	[tilespmem:s28+$0x0] =	vst v7  }
0xa9: {  	s13 =	sor.u32 s2, s0;
	s4 =	sor.u32 s3, s9;
	s0 =	sor.u32 s3, s0;
	v8 =	vadd.f32 v9, v2;
	[tilespmem:s22+$0x0] =	vst v4;
	v4 =	vld [tilespmem:s11+$0x0]  }
0xaa: {  	s12 =	simm.s32 $0x100;
	s14 =	simm.s32 $0x8;
	s8 =	sor.u32 s3, s18;
	v7 =	vadd.f32 v10, v2;
	[tilespmem:s24+$0x0] =	vst v3;
	v3 =	vld [tilespmem:s13+$0x0]  }
.LBB2_5:
0xab: {  	s1 =	sand.u32 $0xE00, s12;
	s2 =	sand.u32 $0x180, s14;
	[tilespmem:s20+$0x0] =	vst v8;
	v2 =	vadd.f32 v5, v2;
	v5 =	vld [tilespmem:s10+$0x0];
	s31 =	sadd.s32 $0x40, s31  }
0xac: {  	s6 =	sadd.s32 $0x4, s6;
	s3 =	sand.u32 $0x40, s31;
	s2 =	sor.u32 s2, s1;
	[tilespmem:s19+$0x0] =	vst v7;
	v7 =	vld [tilespmem:s8+$0x0]  }
0xad: {  	p0 =	slt.u32 s6, $0xFC;
	s5 =	sor.u32 $0x11000, s2;
	s1 =	sor.u32 $0x30, s3;
	[tilespmem:s16+$0x0] =	vst v2;
	v2 =	vadd.f32 v6, v1;
	v6 =	vld [tilespmem:s4+$0x0]  }
0xae: {  	s7 =	sor.u32 $0x4000, s2;
	s9 =	sor.u32 $0x7000, s2;
	s16 =	sor.u32 s1, s5;
	v4 =	vadd.f32 v4, v1;
	v8 =	vld [tilespmem:s0+$0x0]  }
0xaf: {  	s17 =	sor.u32 $0x5000, s2;
	s2 =	sor.u32 $0x6000, s2;
	s18 =	sor.u32 s1, s9;
	v9 =	vld [tilespmem:s16+$0x0];
	[tilespmem:s15+$0x0] =	vst v2;
	v2 =	vadd.f32 v3, v1  }
0xb0: {  	s21 =	sor.u32 $0x20, s3;
	s15 =	sor.u32 s3, s5;
	s16 =	sor.u32 $0x10, s3;
	v3 =	vld [tilespmem:s18+$0x0];
	[tilespmem:s11+$0x0] =	vst v4;
	v1 =	vadd.f32 v5, v1  }
0xb1: {  	s22 =	sor.u32 s3, s7;
	s23 =	sor.u32 s3, s17;
	s24 =	sor.u32 s3, s2;
	v4 =	vld [tilespmem:s15+$0x0];
	[tilespmem:s13+$0x0] =	vst v2;
	v2 =	vadd.f32 v7, v0  }
0xb2: {  	s3 =	sor.u32 s3, s9;
	s25 =	sor.u32 s16, s5;
	s28 =	sor.u32 s16, s7;
	v5 =	vld [tilespmem:s22+$0x0];
	[tilespmem:s10+$0x0] =	vst v1;
	v1 =	vadd.f32 v6, v0  }
0xb3: {  	s20 =	sor.u32 s16, s17;
	s19 =	sor.u32 s16, s2;
	s16 =	sor.u32 s16, s9;
	v6 =	vld [tilespmem:s23+$0x0];
	[tilespmem:s8+$0x0] =	vst v2;
	v2 =	vadd.f32 v8, v0  }
0xb4: {  	s5 =	sor.u32 s21, s5;
	s11 =	sor.u32 s21, s17;
	s15 =	sor.u32 s21, s7;
	v7 =	vld [tilespmem:s24+$0x0];
	[tilespmem:s4+$0x0] =	vst v1;
	v0 =	vmov v9  }
0xb5: {  	s13 =	sor.u32 s21, s2;
	s10 =	sor.u32 s21, s9;
	s8 =	sor.u32 s1, s7;
	v1 =	vld [tilespmem:s3+$0x0];
	v3 =	vadd.f32 v3, v0;
	[tilespmem:s0+$0x0] =	vst v2  }
0xb6: {  	s4 =	sor.u32 s1, s17;
	s0 =	sor.u32 s1, s2;
	v2 =	vld [tilespmem:s25+$0x0]  }
0xb7: {  	v5 =	vadd.f32 v5, v4;
	v8 =	vld [tilespmem:s28+$0x0];
	[tilespmem:s18+$0x0] =	vst v3  }
0xb8: {  	v3 =	vadd.f32 v6, v4;
	v9 =	vld [tilespmem:s20+$0x0]  }
0xb9: {  	[tilespmem:s22+$0x0] =	vst v5;
	v6 =	vadd.f32 v7, v4;
	v7 =	vld [tilespmem:s19+$0x0]  }
.Ltmp1:
0xba: {  	[tilespmem:s23+$0x0] =	vst v3;
	v3 =	vadd.f32 v1, v4;
	v5 =	vld [tilespmem:s16+$0x0];
	(pc) =	sbr.rel @p0 .LBB2_5-.Ltmp1, $4  }
0xbb: {  	[tilespmem:s24+$0x0] =	vst v6;
	v1 =	vld [tilespmem:s5+$0x0]  }
0xbc: {  	[tilespmem:s3+$0x0] =	vst v3;
	v3 =	vadd.f32 v8, v2;
	v6 =	vld [tilespmem:s15+$0x0]  }
0xbd: {  	v8 =	vadd.f32 v9, v2;
	v4 =	vld [tilespmem:s11+$0x0]  }
0xbe: {  	s12 =	sadd.s32 $0x100, s12;
	s14 =	sadd.s32 $0x8, s14;
	[tilespmem:s28+$0x0] =	vst v3;
	v7 =	vadd.f32 v7, v2;
	v3 =	vld [tilespmem:s13+$0x0]  }
0xbf: {  	v9 =	vld [tilespmem:s10+$0x0]  }
0xc0: {  	[tilespmem:s20+$0x0] =	vst v8;
	v2 =	vadd.f32 v5, v2;
	v5 =	vld [tilespmem:s8+$0x0]  }
0xc1: {  	[tilespmem:s19+$0x0] =	vst v7;
	v7 =	vld [tilespmem:s4+$0x0];
	v6 =	vadd.f32 v6, v1  }
0xc2: {  	[tilespmem:s16+$0x0] =	vst v2;
	v2 =	vadd.f32 v4, v1;
	v4 =	vld [tilespmem:s0+$0x0]  }
0xc3: {  	[tilespmem:s15+$0x0] =	vst v6;
	v3 =	vadd.f32 v3, v1  }
0xc4: {  	[tilespmem:s11+$0x0] =	vst v2;
	v1 =	vadd.f32 v9, v1  }
0xc5: {  	v2 =	vadd.f32 v5, v0;
	[tilespmem:s13+$0x0] =	vst v3  }
0xc6: {  	[tilespmem:s10+$0x0] =	vst v1;
	v1 =	vadd.f32 v7, v0  }
0xc7: {  	[tilespmem:s8+$0x0] =	vst v2;
	v0 =	vadd.f32 v4, v0  }
0xc8: {  	[tilespmem:s4+$0x0] =	vst v1  }
0xc9: {  	[tilespmem:s0+$0x0] =	vst v0  }
0xca: {  	s2 =	simm.s32 $0x200;
	s0 =	rddreg [dreg:$0xc]  }
0xcb: {  	s3 =	simm.s32 $0x400;
	s1 =	simm.s32 $0x4000;
	s0 =	sadd.s32 s30, s0  }
0xcc: {  	[hbm4b:s0+s2] =	stream.strided.scatter [tilespmem:s1], [sflag:$0x6], $0x1000, s3, s2, $0x38;
	[tilespmem:$0x14000] =	vst v63  }
0xcd: {  	s8 =	simm.s32 $0x5000;
	s7 =	sadd.s32 $0x80000, s0  }
0xce: {  	[hbm4b:s7+s2] =	stream.strided.scatter [tilespmem:s8], [sflag:$0x6], $0x1000, s3, s2, $0x38;
	[tilespmem:$0x14000] =	vst v63  }
0xcf: {  	s10 =	simm.s32 $0x6000;
	s12 =	rddreg [dreg:$0x17];
	s9 =	sadd.s32 $0x100000, s0  }
0xd0: {  	[hbm4b:s9+s2] =	stream.strided.scatter [tilespmem:s10], [sflag:$0x6], $0x1000, s3, s2, $0x38;
	[tilespmem:$0x14000] =	vst v63  }
0xd1: {  	s11 =	simm.s32 $0x7000;
	p0 =	seq.s32 s12, $0x7;
	s0 =	sadd.s32 $0x180000, s0  }
0xd2: {  	[hbm4b:s0+s2] =	stream.strided.scatter [tilespmem:s11], [sflag:$0x6], $0x1000, s3, s2, $0x38;
	[tilespmem:$0x14000] =	vst v63  }
0xd3: {  	s0 =	simm.s32 @!p0 $0x5  }
0xd4: {  	_ =	swait.ge @!p0 [sflag:s0], $0x4000  }
0xd5: {  	s1 =	rddreg [dreg:$0xd]  }
0xd6: {  	s4 =	simm.s32 @!p0 $0x0;
	s2 =	rddreg [dreg:$0x18]  }
0xd7: {  	s3 =	simm.s32 @!p0 $0x400;
	[sflag:s0] =	ssyncset.done @!p0 $0x0;
	s1 =	sadd.s32 @!p0 s2, s1  }
0xd8: {  	[sflag:s0] =	ssyncadd.s32 @!p0 $0xFFFFC000;
	s2 =	simm.s32 @!p0 $0x200;
	s0 =	sadd.s32 @!p0 s29, s1  }
0xd9: {  	[tilespmem:s4], [sflag:$0x1] =	stream.strided.gather @!p0 [hbm4b:s0+s2], $0x1000, s3, s2, $0x38;
	[tilespmem:$0x14000] =	vst v63  }
0xda: {  	s5 =	simm.s32 @!p0 $0x1000;
	s4 =	sadd.s32 @!p0 $0x80000, s0  }
0xdb: {  	[tilespmem:s5], [sflag:$0x1] =	stream.strided.gather @!p0 [hbm4b:s4+s2], $0x1000, s3, s2, $0x38;
	[tilespmem:$0x14000] =	vst v63  }
0xdc: {  	s4 =	sadd.s32 @!p0 $0x100000, s0;
	s5 =	simm.s32 @!p0 $0x2000  }
0xdd: {  	[tilespmem:s5], [sflag:$0x1] =	stream.strided.gather @!p0 [hbm4b:s4+s2], $0x1000, s3, s2, $0x38;
	[tilespmem:$0x14000] =	vst v63  }
0xde: {  	s31 =	rddreg [dreg:$0x1];
	s0 =	sadd.s32 @!p0 $0x180000, s0;
	s4 =	simm.s32 @!p0 $0x3000  }
0xdf: {  	[tilespmem:s4], [sflag:$0x1] =	stream.strided.gather @!p0 [hbm4b:s0+s2], $0x1000, s3, s2, $0x38;
	[tilespmem:$0x14000] =	vst v63  }
0xe0: {  	s13 =	simm.s32 $0x3;
	s0 =	sadd.s32 @!p0 s31, s1;
	s1 =	simm.s32 @!p0 $0x10000  }
0xe1: {  	[tilespmem:s1], [sflag:$0x1] =	stream.strided.gather @!p0 [hbm4b:s0+s2], $0x1000, s3, s2, $0x38;
	[tilespmem:$0x14000] =	vst v63  }
0xe2: {  	_ =	swait.ge [sflag:s13], $0x4000  }
0xe3: {  	s30 =	simm.s32 $0x0;
	[sflag:s13] =	ssyncset.done $0x0  }
0xe4: {  	s14 =	sand.u32 $0xE00, s30;
	s15 =	sand.u32 $0x180, s30;
	[sflag:s13] =	ssyncadd.s32 $0xFFFFC000  }
0xe5: {  	s16 =	sand.u32 $0x40, s30;
	s0 =	sor.u32 s15, s14;
	_ =	swait.ge [sflag:s13], $0x1000  }
0xe6: {  	s17 =	sor.u32 $0x30, s16;
	s1 =	sor.u32 $0x12000, s0;
	[sflag:s13] =	ssyncset.done $0x0  }
0xe7: {  	s18 =	sor.u32 $0xB000, s0;
	s20 =	sor.u32 s17, s1;
	[sflag:s13] =	ssyncadd.s32 $0xFFFFF000  }
0xe8: {  	s21 =	sor.u32 s17, s18;
	v0 =	vld [tilespmem:s20+$0x0]  }
0xe9: {  	s7 =	sor.u32 $0x8000, s0;
	s6 =	sor.u32 s16, s1;
	v1 =	vld [tilespmem:s21+$0x0]  }
0xea: {  	s9 =	sor.u32 $0x9000, s0;
	s22 =	sor.u32 s16, s7;
	v3 =	vld [tilespmem:s6+$0x0]  }
0xeb: {  	s0 =	sor.u32 $0xA000, s0;
	s23 =	sor.u32 s16, s9;
	v4 =	vld [tilespmem:s22+$0x0]  }
0xec: {  	s24 =	sor.u32 s16, s0;
	v5 =	vld [tilespmem:s23+$0x0]  }
0xed: {  	s25 =	sor.u32 $0x10, s16;
	s12 =	sor.u32 s16, s18;
	v6 =	vld [tilespmem:s24+$0x0]  }
0xee: {  	s28 =	sor.u32 s25, s1;
	v7 =	vld [tilespmem:s12+$0x0]  }
0xef: {  	s14 =	sor.u32 s25, s7;
	v2 =	vld [tilespmem:s28+$0x0]  }
0xf0: {  	v8 =	vld [tilespmem:s14+$0x0]  }
0xf1: {  	v1 =	vadd.f32 v1, v0  }
0xf2: {  	s20 =	sor.u32 s25, s9;
	v4 =	vadd.f32 v4, v3  }
0xf3: {  	s19 =	sor.u32 s25, s0;
	v9 =	vld [tilespmem:s20+$0x0];
	[tilespmem:s21+$0x0] =	vst v1  }
0xf4: {  	s2 =	sor.u32 $0x20, s16;
	s16 =	sor.u32 s25, s18;
	v10 =	vld [tilespmem:s19+$0x0];
	v1 =	vadd.f32 v5, v3;
	[tilespmem:s22+$0x0] =	vst v4;
	v4 =	vadd.f32 v6, v3  }
0xf5: {  	s15 =	sor.u32 s2, s7;
	v5 =	vld [tilespmem:s16+$0x0];
	v3 =	vadd.f32 v7, v3;
	v7 =	vadd.f32 v8, v2  }
0xf6: {  	s1 =	sor.u32 s2, s1;
	v6 =	vld [tilespmem:s15+$0x0];
	[tilespmem:s23+$0x0] =	vst v1  }
0xf7: {  	s11 =	sor.u32 s2, s9;
	s10 =	sor.u32 s2, s18;
	s8 =	sor.u32 s17, s7;
	v1 =	vld [tilespmem:s1+$0x0];
	[tilespmem:s14+$0x0] =	vst v7  }
0xf8: {  	s4 =	sor.u32 s17, s9;
	s13 =	sor.u32 s2, s0;
	s0 =	sor.u32 s17, s0;
	v8 =	vadd.f32 v9, v2;
	[tilespmem:s24+$0x0] =	vst v4;
	v4 =	vld [tilespmem:s11+$0x0]  }
0xf9: {  	s6 =	simm.s32 $0x0;
	v7 =	vadd.f32 v10, v2;
	s14 =	simm.s32 $0x8;
	[tilespmem:s12+$0x0] =	vst v3;
	v3 =	vld [tilespmem:s13+$0x0];
	s12 =	simm.s32 $0x100  }
.LBB2_7:
0xfa: {  	s1 =	sand.u32 $0xE00, s12;
	s2 =	sand.u32 $0x180, s14;
	[tilespmem:s20+$0x0] =	vst v8;
	v2 =	vadd.f32 v5, v2;
	v5 =	vld [tilespmem:s10+$0x0];
	s30 =	sadd.s32 $0x40, s30  }
0xfb: {  	s6 =	sadd.s32 $0x4, s6;
	s3 =	sand.u32 $0x40, s30;
	s2 =	sor.u32 s2, s1;
	[tilespmem:s19+$0x0] =	vst v7;
	v7 =	vld [tilespmem:s8+$0x0]  }
0xfc: {  	p1 =	slt.u32 s6, $0xFC;
	s5 =	sor.u32 $0x12000, s2;
	s1 =	sor.u32 $0x30, s3;
	[tilespmem:s16+$0x0] =	vst v2;
	v2 =	vadd.f32 v6, v1;
	v6 =	vld [tilespmem:s4+$0x0]  }
0xfd: {  	s7 =	sor.u32 $0x8000, s2;
	s9 =	sor.u32 $0xB000, s2;
	s16 =	sor.u32 s1, s5;
	v4 =	vadd.f32 v4, v1;
	v8 =	vld [tilespmem:s0+$0x0]  }
0xfe: {  	s17 =	sor.u32 $0x9000, s2;
	s2 =	sor.u32 $0xA000, s2;
	s18 =	sor.u32 s1, s9;
	v9 =	vld [tilespmem:s16+$0x0];
	[tilespmem:s15+$0x0] =	vst v2;
	v2 =	vadd.f32 v3, v1  }
0xff: {  	s21 =	sor.u32 $0x20, s3;
	s15 =	sor.u32 s3, s5;
	s16 =	sor.u32 $0x10, s3;
	v3 =	vld [tilespmem:s18+$0x0];
	[tilespmem:s11+$0x0] =	vst v4;
	v1 =	vadd.f32 v5, v1  }
0x100: {  	s22 =	sor.u32 s3, s7;
	s23 =	sor.u32 s3, s17;
	s24 =	sor.u32 s3, s2;
	v4 =	vld [tilespmem:s15+$0x0];
	[tilespmem:s13+$0x0] =	vst v2;
	v2 =	vadd.f32 v7, v0  }
0x101: {  	s3 =	sor.u32 s3, s9;
	s25 =	sor.u32 s16, s5;
	s28 =	sor.u32 s16, s7;
	v5 =	vld [tilespmem:s22+$0x0];
	[tilespmem:s10+$0x0] =	vst v1;
	v1 =	vadd.f32 v6, v0  }
0x102: {  	s20 =	sor.u32 s16, s17;
	s19 =	sor.u32 s16, s2;
	s16 =	sor.u32 s16, s9;
	v6 =	vld [tilespmem:s23+$0x0];
	[tilespmem:s8+$0x0] =	vst v2;
	v2 =	vadd.f32 v8, v0  }
0x103: {  	s5 =	sor.u32 s21, s5;
	s11 =	sor.u32 s21, s17;
	s15 =	sor.u32 s21, s7;
	v7 =	vld [tilespmem:s24+$0x0];
	[tilespmem:s4+$0x0] =	vst v1;
	v0 =	vmov v9  }
0x104: {  	s13 =	sor.u32 s21, s2;
	s10 =	sor.u32 s21, s9;
	s8 =	sor.u32 s1, s7;
	v1 =	vld [tilespmem:s3+$0x0];
	v3 =	vadd.f32 v3, v0;
	[tilespmem:s0+$0x0] =	vst v2  }
0x105: {  	s4 =	sor.u32 s1, s17;
	s0 =	sor.u32 s1, s2;
	v2 =	vld [tilespmem:s25+$0x0]  }
0x106: {  	v5 =	vadd.f32 v5, v4;
	v8 =	vld [tilespmem:s28+$0x0];
	[tilespmem:s18+$0x0] =	vst v3  }
0x107: {  	v3 =	vadd.f32 v6, v4;
	v9 =	vld [tilespmem:s20+$0x0]  }
0x108: {  	[tilespmem:s22+$0x0] =	vst v5;
	v6 =	vadd.f32 v7, v4;
	v7 =	vld [tilespmem:s19+$0x0]  }
.Ltmp2:
0x109: {  	[tilespmem:s23+$0x0] =	vst v3;
	v3 =	vadd.f32 v1, v4;
	v5 =	vld [tilespmem:s16+$0x0];
	(pc) =	sbr.rel @p1 .LBB2_7-.Ltmp2, $4  }
0x10a: {  	[tilespmem:s24+$0x0] =	vst v6;
	v1 =	vld [tilespmem:s5+$0x0]  }
0x10b: {  	[tilespmem:s3+$0x0] =	vst v3;
	v3 =	vadd.f32 v8, v2;
	v6 =	vld [tilespmem:s15+$0x0]  }
0x10c: {  	v8 =	vadd.f32 v9, v2;
	v4 =	vld [tilespmem:s11+$0x0]  }
0x10d: {  	s12 =	sadd.s32 $0x100, s12;
	s14 =	sadd.s32 $0x8, s14;
	[tilespmem:s28+$0x0] =	vst v3;
	v7 =	vadd.f32 v7, v2;
	v3 =	vld [tilespmem:s13+$0x0]  }
0x10e: {  	v9 =	vld [tilespmem:s10+$0x0]  }
0x10f: {  	[tilespmem:s20+$0x0] =	vst v8;
	v2 =	vadd.f32 v5, v2;
	v5 =	vld [tilespmem:s8+$0x0]  }
0x110: {  	[tilespmem:s19+$0x0] =	vst v7;
	v7 =	vld [tilespmem:s4+$0x0];
	v6 =	vadd.f32 v6, v1  }
0x111: {  	[tilespmem:s16+$0x0] =	vst v2;
	v2 =	vadd.f32 v4, v1;
	v4 =	vld [tilespmem:s0+$0x0]  }
0x112: {  	[tilespmem:s15+$0x0] =	vst v6;
	v3 =	vadd.f32 v3, v1  }
0x113: {  	[tilespmem:s11+$0x0] =	vst v2;
	v1 =	vadd.f32 v9, v1  }
0x114: {  	v2 =	vadd.f32 v5, v0;
	[tilespmem:s13+$0x0] =	vst v3  }
0x115: {  	[tilespmem:s10+$0x0] =	vst v1;
	v1 =	vadd.f32 v7, v0  }
0x116: {  	[tilespmem:s8+$0x0] =	vst v2;
	v0 =	vadd.f32 v4, v0  }
0x117: {  	[tilespmem:s4+$0x0] =	vst v1  }
0x118: {  	s7 =	rddreg [dreg:$0x2];
	[tilespmem:s0+$0x0] =	vst v0  }
0x119: {  	s30 =	simm.s32 $0x200;
	s1 =	rddreg [dreg:$0x19]  }
0x11a: {  	s2 =	simm.s32 $0x400;
	s8 =	simm.s32 $0x8000;
	s0 =	sadd.s32 s7, s1  }
0x11b: {  	[hbm4b:s0+s30] =	stream.strided.scatter [tilespmem:s8], [sflag:$0x7], $0x1000, s2, s30, $0x38;
	[tilespmem:$0x14000] =	vst v63  }
0x11c: {  	s3 =	simm.s32 $0x9000;
	s9 =	sadd.s32 $0x80000, s0  }
0x11d: {  	[hbm4b:s9+s30] =	stream.strided.scatter [tilespmem:s3], [sflag:$0x7], $0x1000, s2, s30, $0x38;
	[tilespmem:$0x14000] =	vst v63  }
0x11e: {  	s11 =	simm.s32 $0xA000;
	s10 =	sadd.s32 $0x100000, s0  }
0x11f: {  	[hbm4b:s10+s30] =	stream.strided.scatter [tilespmem:s11], [sflag:$0x7], $0x1000, s2, s30, $0x38;
	[tilespmem:$0x14000] =	vst v63  }
0x120: {  	s12 =	simm.s32 $0xB000;
	s0 =	sadd.s32 $0x180000, s0  }
0x121: {  	[hbm4b:s0+s30] =	stream.strided.scatter [tilespmem:s12], [sflag:$0x7], $0x1000, s2, s30, $0x38;
	[tilespmem:$0x14000] =	vst v63  }
0x122: {  	s0 =	simm.s32 @!p0 $0x6  }
0x123: {  	_ =	swait.ge @!p0 [sflag:s0], $0x4000  }
0x124: {  	s1 =	rddreg [dreg:$0xe]  }
0x125: {  	s4 =	simm.s32 @!p0 $0x4000;
	s2 =	rddreg [dreg:$0x18]  }
0x126: {  	s3 =	simm.s32 @!p0 $0x400;
	[sflag:s0] =	ssyncset.done @!p0 $0x0;
	s1 =	sadd.s32 @!p0 s2, s1  }
0x127: {  	[sflag:s0] =	ssyncadd.s32 @!p0 $0xFFFFC000;
	s2 =	simm.s32 @!p0 $0x200;
	s0 =	sadd.s32 @!p0 s29, s1  }
0x128: {  	[tilespmem:s4], [sflag:$0x2] =	stream.strided.gather @!p0 [hbm4b:s0+s2], $0x1000, s3, s2, $0x38;
	[tilespmem:$0x14000] =	vst v63  }
0x129: {  	s5 =	simm.s32 @!p0 $0x5000;
	s4 =	sadd.s32 @!p0 $0x80000, s0  }
0x12a: {  	[tilespmem:s5], [sflag:$0x2] =	stream.strided.gather @!p0 [hbm4b:s4+s2], $0x1000, s3, s2, $0x38;
	[tilespmem:$0x14000] =	vst v63  }
0x12b: {  	s4 =	sadd.s32 @!p0 $0x100000, s0;
	s5 =	simm.s32 @!p0 $0x6000  }
0x12c: {  	[tilespmem:s5], [sflag:$0x2] =	stream.strided.gather @!p0 [hbm4b:s4+s2], $0x1000, s3, s2, $0x38;
	[tilespmem:$0x14000] =	vst v63  }
0x12d: {  	s0 =	sadd.s32 @!p0 $0x180000, s0;
	s4 =	simm.s32 @!p0 $0x7000  }
0x12e: {  	[tilespmem:s4], [sflag:$0x2] =	stream.strided.gather @!p0 [hbm4b:s0+s2], $0x1000, s3, s2, $0x38;
	[tilespmem:$0x14000] =	vst v63  }
0x12f: {  	s13 =	simm.s32 $0x4;
	s0 =	sadd.s32 @!p0 s31, s1;
	s1 =	simm.s32 @!p0 $0x11000  }
0x130: {  	[tilespmem:s1], [sflag:$0x2] =	stream.strided.gather @!p0 [hbm4b:s0+s2], $0x1000, s3, s2, $0x38;
	[tilespmem:$0x14000] =	vst v63  }
0x131: {  	_ =	swait.ge [sflag:s13], $0x4000  }
0x132: {  	s25 =	simm.s32 $0x0;
	[sflag:s13] =	ssyncset.done $0x0  }
0x133: {  	s14 =	sand.u32 $0xE00, s25;
	s15 =	sand.u32 $0x180, s25;
	[sflag:s13] =	ssyncadd.s32 $0xFFFFC000  }
0x134: {  	s16 =	sand.u32 $0x40, s25;
	s0 =	sor.u32 s15, s14;
	_ =	swait.ge [sflag:s13], $0x1000  }
0x135: {  	s17 =	sor.u32 $0x30, s16;
	s1 =	sor.u32 $0x13000, s0;
	[sflag:s13] =	ssyncset.done $0x0  }
0x136: {  	s18 =	sor.u32 $0xF000, s0;
	s20 =	sor.u32 s17, s1;
	[sflag:s13] =	ssyncadd.s32 $0xFFFFF000  }
0x137: {  	s21 =	sor.u32 s17, s18;
	v0 =	vld [tilespmem:s20+$0x0]  }
0x138: {  	s7 =	sor.u32 $0xC000, s0;
	s6 =	sor.u32 s16, s1;
	v1 =	vld [tilespmem:s21+$0x0]  }
0x139: {  	s9 =	sor.u32 $0xD000, s0;
	s22 =	sor.u32 s16, s7;
	v3 =	vld [tilespmem:s6+$0x0]  }
0x13a: {  	s0 =	sor.u32 $0xE000, s0;
	s23 =	sor.u32 s16, s9;
	v4 =	vld [tilespmem:s22+$0x0]  }
0x13b: {  	s24 =	sor.u32 s16, s0;
	v5 =	vld [tilespmem:s23+$0x0]  }
0x13c: {  	s28 =	sor.u32 $0x10, s16;
	s12 =	sor.u32 s16, s18;
	v6 =	vld [tilespmem:s24+$0x0]  }
0x13d: {  	s29 =	sor.u32 s28, s1;
	v7 =	vld [tilespmem:s12+$0x0]  }
0x13e: {  	s14 =	sor.u32 s28, s7;
	v2 =	vld [tilespmem:s29+$0x0]  }
0x13f: {  	v8 =	vld [tilespmem:s14+$0x0]  }
0x140: {  	v1 =	vadd.f32 v1, v0  }
0x141: {  	s20 =	sor.u32 s28, s9;
	v4 =	vadd.f32 v4, v3  }
0x142: {  	s19 =	sor.u32 s28, s0;
	v9 =	vld [tilespmem:s20+$0x0];
	[tilespmem:s21+$0x0] =	vst v1  }
0x143: {  	s2 =	sor.u32 $0x20, s16;
	s16 =	sor.u32 s28, s18;
	v10 =	vld [tilespmem:s19+$0x0];
	v1 =	vadd.f32 v5, v3;
	[tilespmem:s22+$0x0] =	vst v4;
	v4 =	vadd.f32 v6, v3  }
0x144: {  	s15 =	sor.u32 s2, s7;
	v5 =	vld [tilespmem:s16+$0x0];
	v3 =	vadd.f32 v7, v3;
	v7 =	vadd.f32 v8, v2  }
0x145: {  	s1 =	sor.u32 s2, s1;
	v6 =	vld [tilespmem:s15+$0x0];
	[tilespmem:s23+$0x0] =	vst v1  }
0x146: {  	s11 =	sor.u32 s2, s9;
	s10 =	sor.u32 s2, s18;
	s8 =	sor.u32 s17, s7;
	v1 =	vld [tilespmem:s1+$0x0];
	[tilespmem:s14+$0x0] =	vst v7  }
0x147: {  	s4 =	sor.u32 s17, s9;
	s13 =	sor.u32 s2, s0;
	s0 =	sor.u32 s17, s0;
	v8 =	vadd.f32 v9, v2;
	[tilespmem:s24+$0x0] =	vst v4;
	v4 =	vld [tilespmem:s11+$0x0]  }
0x148: {  	s6 =	simm.s32 $0x0;
	v7 =	vadd.f32 v10, v2;
	s14 =	simm.s32 $0x8;
	[tilespmem:s12+$0x0] =	vst v3;
	v3 =	vld [tilespmem:s13+$0x0];
	s12 =	simm.s32 $0x100  }
.LBB2_9:
0x149: {  	s1 =	sand.u32 $0xE00, s12;
	s2 =	sand.u32 $0x180, s14;
	[tilespmem:s20+$0x0] =	vst v8;
	v2 =	vadd.f32 v5, v2;
	v5 =	vld [tilespmem:s10+$0x0];
	s25 =	sadd.s32 $0x40, s25  }
0x14a: {  	s6 =	sadd.s32 $0x4, s6;
	s3 =	sand.u32 $0x40, s25;
	s2 =	sor.u32 s2, s1;
	[tilespmem:s19+$0x0] =	vst v7;
	v7 =	vld [tilespmem:s8+$0x0]  }
0x14b: {  	p0 =	slt.u32 s6, $0xFC;
	s5 =	sor.u32 $0x13000, s2;
	s1 =	sor.u32 $0x30, s3;
	[tilespmem:s16+$0x0] =	vst v2;
	v2 =	vadd.f32 v6, v1;
	v6 =	vld [tilespmem:s4+$0x0]  }
0x14c: {  	s7 =	sor.u32 $0xC000, s2;
	s9 =	sor.u32 $0xF000, s2;
	s16 =	sor.u32 s1, s5;
	v4 =	vadd.f32 v4, v1;
	v8 =	vld [tilespmem:s0+$0x0]  }
0x14d: {  	s17 =	sor.u32 $0xD000, s2;
	s2 =	sor.u32 $0xE000, s2;
	s18 =	sor.u32 s1, s9;
	v9 =	vld [tilespmem:s16+$0x0];
	[tilespmem:s15+$0x0] =	vst v2;
	v2 =	vadd.f32 v3, v1  }
0x14e: {  	s21 =	sor.u32 $0x20, s3;
	s15 =	sor.u32 s3, s5;
	s16 =	sor.u32 $0x10, s3;
	v3 =	vld [tilespmem:s18+$0x0];
	[tilespmem:s11+$0x0] =	vst v4;
	v1 =	vadd.f32 v5, v1  }
0x14f: {  	s22 =	sor.u32 s3, s7;
	s23 =	sor.u32 s3, s17;
	s24 =	sor.u32 s3, s2;
	v4 =	vld [tilespmem:s15+$0x0];
	[tilespmem:s13+$0x0] =	vst v2;
	v2 =	vadd.f32 v7, v0  }
0x150: {  	s3 =	sor.u32 s3, s9;
	s28 =	sor.u32 s16, s5;
	s29 =	sor.u32 s16, s7;
	v5 =	vld [tilespmem:s22+$0x0];
	[tilespmem:s10+$0x0] =	vst v1;
	v1 =	vadd.f32 v6, v0  }
0x151: {  	s20 =	sor.u32 s16, s17;
	s19 =	sor.u32 s16, s2;
	s16 =	sor.u32 s16, s9;
	v6 =	vld [tilespmem:s23+$0x0];
	[tilespmem:s8+$0x0] =	vst v2;
	v2 =	vadd.f32 v8, v0  }
0x152: {  	s5 =	sor.u32 s21, s5;
	s11 =	sor.u32 s21, s17;
	s15 =	sor.u32 s21, s7;
	v7 =	vld [tilespmem:s24+$0x0];
	[tilespmem:s4+$0x0] =	vst v1;
	v0 =	vmov v9  }
0x153: {  	s13 =	sor.u32 s21, s2;
	s10 =	sor.u32 s21, s9;
	s8 =	sor.u32 s1, s7;
	v1 =	vld [tilespmem:s3+$0x0];
	v3 =	vadd.f32 v3, v0;
	[tilespmem:s0+$0x0] =	vst v2  }
0x154: {  	s4 =	sor.u32 s1, s17;
	s0 =	sor.u32 s1, s2;
	v2 =	vld [tilespmem:s28+$0x0]  }
0x155: {  	v5 =	vadd.f32 v5, v4;
	v8 =	vld [tilespmem:s29+$0x0];
	[tilespmem:s18+$0x0] =	vst v3  }
0x156: {  	v3 =	vadd.f32 v6, v4;
	v9 =	vld [tilespmem:s20+$0x0]  }
0x157: {  	[tilespmem:s22+$0x0] =	vst v5;
	v6 =	vadd.f32 v7, v4;
	v7 =	vld [tilespmem:s19+$0x0]  }
.Ltmp3:
0x158: {  	[tilespmem:s23+$0x0] =	vst v3;
	v3 =	vadd.f32 v1, v4;
	v5 =	vld [tilespmem:s16+$0x0];
	(pc) =	sbr.rel @p0 .LBB2_9-.Ltmp3, $4  }
0x159: {  	[tilespmem:s24+$0x0] =	vst v6;
	v1 =	vld [tilespmem:s5+$0x0]  }
0x15a: {  	[tilespmem:s3+$0x0] =	vst v3;
	v3 =	vadd.f32 v8, v2;
	v6 =	vld [tilespmem:s15+$0x0]  }
0x15b: {  	v8 =	vadd.f32 v9, v2;
	v4 =	vld [tilespmem:s11+$0x0]  }
0x15c: {  	s12 =	sadd.s32 $0x100, s12;
	s14 =	sadd.s32 $0x8, s14;
	[tilespmem:s29+$0x0] =	vst v3;
	v7 =	vadd.f32 v7, v2;
	v3 =	vld [tilespmem:s13+$0x0]  }
0x15d: {  	v9 =	vld [tilespmem:s10+$0x0]  }
0x15e: {  	[tilespmem:s20+$0x0] =	vst v8;
	v2 =	vadd.f32 v5, v2;
	v56 =	vld [tilespmem:s8+$0x0]  }
0x15f: {  	v57 =	vld [tilespmem:s4+$0x0];
	[tilespmem:s19+$0x0] =	vst v7;
	v6 =	vadd.f32 v6, v1  }
0x160: {  	v59 =	vld [tilespmem:s0+$0x0];
	[tilespmem:s16+$0x0] =	vst v2;
	v58 =	vadd.f32 v4, v1  }
0x161: {  	[tilespmem:s15+$0x0] =	vst v6;
	v3 =	vadd.f32 v3, v1  }
0x162: {  	[tilespmem:s11+$0x0] =	vst v58;
	v60 =	vadd.f32 v9, v1  }
0x163: {  	v61 =	vadd.f32 v56, v0;
	[tilespmem:s13+$0x0] =	vst v3  }
0x164: {  	v62 =	vadd.f32 v57, v0;
	[tilespmem:s10+$0x0] =	vst v60  }
0x165: {  	v63 =	vadd.f32 v59, v0;
	[tilespmem:s8+$0x0] =	vst v61  }
0x166: {  	s23 =	rddreg [dreg:$0x2];
	[tilespmem:s4+$0x0] =	vst v62  }
0x167: {  	s3 =	simm.s32 $0x400;
	s1 =	simm.s32 $0xC000;
	[tilespmem:s0+$0x0] =	vst v63;
	s0 =	sadd.s32 s23, s26  }
0x168: {  	[hbm4b:s0+s30] =	stream.strided.scatter [tilespmem:s1], [sflag:$0x8], $0x1000, s3, s30, $0x38;
	[tilespmem:$0x14000] =	vst v63  }
0x169: {  	s29 =	rddreg [dreg:$0x17]  }
0x16a: {  	s2 =	simm.s32 $0xD000;
	s24 =	sadd.s32 $0x80000, s0;
	s1 =	sadd.s32 $0x1, s29  }
0x16b: {  	[hbm4b:s24+s30] =	stream.strided.scatter [tilespmem:s2], [sflag:$0x8], $0x1000, s3, s30, $0x38;
	[tilespmem:$0x14000] =	vst v63  }
0x16c: {  	p0 =	sne.s32 s1, $0x8  }
.Ltmp4:
0x16d: {  	_ = 	snop;
	(pc) =	sbr.rel @p0 .LBB2_2-.Ltmp4, $4  }
0x16e: {  	s26 =	simm.s32 $0xE000;
	s25 =	sadd.s32 $0x100000, s0  }
0x16f: {  	[hbm4b:s25+s30] =	stream.strided.scatter [tilespmem:s26], [sflag:$0x8], $0x1000, s3, s30, $0x38;
	[tilespmem:$0x14000] =	vst v63  }
0x170: {  	s28 =	simm.s32 $0xF000;
	s0 =	sadd.s32 $0x180000, s0;
	s2 =	rddreg [dreg:$0x0]  }
0x171: {  	[hbm4b:s0+s30] =	stream.strided.scatter [tilespmem:s28], [sflag:$0x8], $0x1000, s3, s30, $0x38;
	[tilespmem:$0x14000] =	vst v63  }
0x172: {  	s0 =	simm.s32 $0x5  }
0x173: {  	_ =	swait.ge [sflag:s0], $0x4000  }
0x174: {  	[sflag:s0] =	ssyncset.done $0x0  }
0x175: {  	s26 =	simm.s32 $0x6;
	[sflag:s0] =	ssyncadd.s32 $0xFFFFC000  }
0x176: {  	_ =	swait.ge [sflag:s26], $0x4000  }
0x177: {  	[sflag:s26] =	ssyncset.done $0x0  }
0x178: {  	s28 =	simm.s32 $0x7;
	[sflag:s26] =	ssyncadd.s32 $0xFFFFC000  }
0x179: {  	_ =	swait.ge [sflag:s28], $0x4000  }
0x17a: {  	[sflag:s28] =	ssyncset.done $0x0  }
0x17b: {  	s1 =	simm.s32 $0x8;
	[sflag:s28] =	ssyncadd.s32 $0xFFFFC000  }
0x17c: {  	_ =	swait.ge [sflag:s1], $0x4000  }
0x17d: {  	s4 =	rddreg [dreg:$0x16]  }
0x17e: {  	s29 =	rddreg [dreg:$0xf];
	s4 =	sadd.s32 $0x1, s4  }
0x17f: {  	p0 =	sne.s32 s4, s29  }
.Ltmp5:
0x180: {  	_ = 	snop;
	(pc) =	sbr.rel @p0 .LBB2_1-.Ltmp5, $3  }
0x181: {  	_ =	sdelay $0x1  }
0x182: {  	[sflag:s1] =	ssyncset.done $0x0  }
0x183: {  	[sflag:s1] =	ssyncadd.s32 $0xFFFFC000  }
0x184: {  	_ =	sfence.sel $0x180000  }
0x185: {  	[bflag:$0x0] =	sbarrier.arrive $0xFFFF  }
0x186: {  	_ =	strace $0x90000047  }
0x187: {  	s0 =	stileid.u32;
	[bflag:$0x2] =	sbarrier.arrive $0xFFFF  }
0x188: {  	p0 =	sne.s32 s0, $0x0;
	s0 =	rddreg [dreg:$0x3]  }
0x189: {  	s0 =	sadd.s32 @!p0 $0x100000, s0  }
0x18a: {  	[sflag:s0] =	ssyncadd.tile.s32 @!p0 $0x1;
	_ =	shalt  }
.Lfunc_end2:
_tile_overlayer_lowered:
.L_overlay_start_2:
0x18b: {  	(tag) =	ssettag $0x2  }
0x18c: {  	s0 =	rddreg [dreg:$0x0];
	s2 =	stileid.u32  }
0x18d: {  	s1 =	rddreg [dreg:$0x1];
	p0 =	sne.s32 s2, $0x0  }
0x18e: {  	s3 =	rddreg [dreg:$0x2];
	[bflag:$0x3] =	sbarrier.arrive $0xFFFF;
	s2 =	simm.s32 @!p0 $0x1C09  }
0x18f: {  	[timem:s3], [sflag:s2] =	dma.local @!p0 [hbm:s0], s1  }
0x190: {  	s0 =	simm.s32 @!p0 $0x9  }
0x191: {  	_ =	swait.ge @!p0 [sflag:s0], s1  }
0x192: {  	s1 =	ssub.s32 @!p0 $0x0, s1;
	[sflag:s0] =	ssyncset.done @!p0 $0x0  }
0x193: {  	[sflag:s0] =	ssyncadd.s32 @!p0 s1  }
0x194: {  	[bflag:$0x3] =	sbarrier.arrive $0xFFFF  }
0x195: {  	_ =	shalt  }

</sc_bundles>
